<compile_context>
chip_gen: v7x
topology: tpu7x:2x2x1
jax: 0.10.2.dev20260603
libtpu: 0.0.44.dev20260713+nightly
codegen_flags: <defaults>
</compile_context>

<pallas_src>
import functools

import jax
import jax.numpy as jnp
from jax import lax
from jax.experimental import pallas as pl
from jax.experimental.pallas import tpu as pltpu
from jax.experimental.pallas import tpu_sc as plsc

_LANES = 128


def _pick_ch(e: int, target: int) -> int:
    ch = _LANES
    for d in range(_LANES, target + 1, _LANES):
        if e % d == 0:
            ch = d
    return ch


def _zero_vmem(buf, nwords):
    def zbody(i, cc):
        buf[pl.ds(i * 16, 16)] = jnp.zeros((16,), jnp.float32)
        return cc
    lax.fori_loop(0, nwords // 16, zbody, 0)


def _sc_degree(col1d, ew1d, *, npad, e, ch):
    info = plsc.get_sparse_core_info()
    ncore, nsub = info.num_cores, info.num_subcores
    nw = ncore * nsub
    sl = npad // nsub
    nchunks = e // ch
    mesh = plsc.VectorSubcoreMesh(core_axis_name="c", subcore_axis_name="s")

    @functools.partial(
        pl.kernel,
        out_type=jax.ShapeDtypeStruct((ncore * npad,), jnp.float32),
        mesh=mesh,
        scratch_types=[
            pltpu.VMEM((ch,), jnp.int32),
            pltpu.VMEM((ch,), jnp.float32),
            pltpu.VMEM((sl,), jnp.float32),
            pltpu.VMEM_SHARED((npad,), jnp.float32),
        ],
    )
    def k(col_hbm, ew_hbm, out_hbm, cbuf, wbuf, tmp, deg_sp):
        c = lax.axis_index("c")
        s = lax.axis_index("s")
        w = c * nsub + s
        seg = pl.ds(s * sl, sl)
        _zero_vmem(tmp, sl)
        pltpu.sync_copy(tmp, deg_sp.at[seg])
        plsc.subcore_barrier()
        my_chunks = (nchunks - w + nw - 1) // nw

        def body(i, carry):
            e0 = (w + i * nw) * ch
            pltpu.sync_copy(col_hbm.at[pl.ds(e0, ch)], cbuf)
            pltpu.sync_copy(ew_hbm.at[pl.ds(e0, ch)], wbuf)
            pltpu.sync_copy(wbuf, deg_sp.at[cbuf], add=True)
            return carry

        lax.fori_loop(0, my_chunks, body, 0)
        plsc.subcore_barrier()
        pltpu.sync_copy(deg_sp.at[seg], tmp)
        pltpu.sync_copy(tmp, out_hbm.at[pl.ds(c * npad + s * sl, sl)])

    return k(col1d, ew1d)


def _sc_messages(row1d, col1d, ew1d, packed_pad, *, npad, e, ch):
    info = plsc.get_sparse_core_info()
    ncore, nsub = info.num_cores, info.num_subcores
    nw = ncore * nsub
    sl = npad // nsub
    nchunks = e // ch
    mesh = plsc.VectorSubcoreMesh(core_axis_name="c", subcore_axis_name="s")

    @functools.partial(
        pl.kernel,
        out_type=(
            jax.ShapeDtypeStruct((ncore * npad,), jnp.float32),
            jax.ShapeDtypeStruct((ncore * npad,), jnp.float32),
        ),
        mesh=mesh,
        compiler_params=pltpu.CompilerParams(needs_layout_passes=False),
        scratch_types=[
            pltpu.VMEM((ch,), jnp.int32),
            pltpu.VMEM((ch,), jnp.int32),
            pltpu.VMEM((ch,), jnp.float32),
            pltpu.VMEM((ch,), jnp.float32),
            pltpu.VMEM((ch,), jnp.float32),
            pltpu.VMEM((sl // 2,), jnp.float32),
            pltpu.VMEM((npad,), jnp.int32),
            pltpu.VMEM_SHARED((npad,), jnp.float32),
            pltpu.VMEM_SHARED((npad,), jnp.float32),
            pltpu.SemaphoreType.DMA,
            pltpu.SemaphoreType.DMA,
            pltpu.SemaphoreType.DMA,
            pltpu.SemaphoreType.DMA,
            pltpu.SemaphoreType.DMA,
        ],
    )
    def k(row_hbm, col_hbm, ew_hbm, packed_hbm, s_out, u_out,
          rbuf, cbuf, wbuf, m1b, m2b, tmp, ptab, ssp, usp,
          sem_r, sem_c, sem_w, sem_s1, sem_s2):
        c = lax.axis_index("c")
        s = lax.axis_index("s")
        w = c * nsub + s
        hw = sl // 2
        pltpu.sync_copy(packed_hbm, ptab)
        _zero_vmem(tmp, hw)
        for half in range(2):
            hseg = pl.ds(s * sl + half * hw, hw)
            pltpu.sync_copy(tmp, ssp.at[hseg])
            pltpu.sync_copy(tmp, usp.at[hseg])
        plsc.subcore_barrier()
        my_chunks = (nchunks - w + nw - 1) // nw

        def body(i, carry):
            e0 = (w + i * nw) * ch
            hr = pltpu.async_copy(row_hbm.at[pl.ds(e0, ch)], rbuf, sem_r)
            hc = pltpu.async_copy(col_hbm.at[pl.ds(e0, ch)], cbuf, sem_c)
            hw2 = pltpu.async_copy(ew_hbm.at[pl.ds(e0, ch)], wbuf, sem_w)
            hr.wait()
            hc.wait()
            hw2.wait()

            @plsc.parallel_loop(0, ch // 16, unroll=8)
            def cbody(j):
                sl16 = pl.ds(j * 16, 16)
                ri = rbuf[sl16]
                ci = cbuf[sl16]
                gr = plsc.load_gather(ptab, [ri])
                gc = plsc.load_gather(ptab, [ci])
                a_row = plsc.bitcast(gr & jnp.int32(-65536), jnp.float32)
                dinv_col = plsc.bitcast(gc << 16, jnp.float32)
                wv = wbuf[sl16]
                m1b[sl16] = wv * a_row
                m2b[sl16] = wv * dinv_col
            h1 = pltpu.async_copy(m1b, ssp.at[cbuf], sem_s1, add=True)
            h2 = pltpu.async_copy(m2b, usp.at[rbuf], sem_s2, add=True)
            h1.wait()
            h2.wait()
            return carry

        lax.fori_loop(0, my_chunks, body, 0)
        plsc.subcore_barrier()
        for half in range(2):
            hseg = pl.ds(s * sl + half * hw, hw)
            oseg = pl.ds(c * npad + s * sl + half * hw, hw)
            pltpu.sync_copy(ssp.at[hseg], tmp)
            pltpu.sync_copy(tmp, s_out.at[oseg])
            pltpu.sync_copy(usp.at[hseg], tmp)
            pltpu.sync_copy(tmp, u_out.at[oseg])

    return k(row1d, col1d, ew1d, packed_pad)


def _tc_prep(degp, xp, *, n, npad):
    rows = npad // _LANES

    def body(dp_ref, xp_ref, out_ref, pk_ref):
        deg = dp_ref[0] + dp_ref[1] + 1.0
        dinv = lax.rsqrt(deg)
        i0 = lax.broadcasted_iota(jnp.int32, (rows, _LANES), 0)
        i1 = lax.broadcasted_iota(jnp.int32, (rows, _LANES), 1)
        valid = (i0 * _LANES + i1) < n
        dinv = jnp.where(valid, dinv, 0.0)
        a = dinv * xp_ref[...]
        out_ref[0] = dinv
        out_ref[1] = a
        rb_a = lax.bitcast_convert_type(a, jnp.uint32) + jnp.uint32(0x8000)
        rb_d = lax.bitcast_convert_type(dinv, jnp.uint32) + jnp.uint32(0x8000)
        packed = (rb_a & jnp.uint32(0xFFFF0000)) | (rb_d >> jnp.uint32(16))
        pk_ref[...] = lax.bitcast_convert_type(packed, jnp.int32)

    return pl.pallas_call(
        body,
        out_shape=(
            jax.ShapeDtypeStruct((2, rows, _LANES), jnp.float32),
            jax.ShapeDtypeStruct((rows, _LANES), jnp.int32),
        ),
    )(degp, xp)


def _tc_tail(sp, up, da, W1, b1, W2, b2, *, n, npad):
    rows = npad // _LANES
    f1 = W1.shape[1]
    f2 = W2.shape[1]

    def body(sp_ref, up_ref, da_ref, w1_ref, b1_ref, w2_ref, b2_ref, out_ref):
        dinv = da_ref[0]
        a = da_ref[1]
        s1 = dinv * (sp_ref[0] + sp_ref[1] + a)
        t = dinv * (up_ref[0] + up_ref[1] + dinv)
        vs = []
        for j in range(f1):
            hj = jnp.maximum(s1 * w1_ref[0, j] + b1_ref[j], 0.0)
            vs.append(jnp.sum(t * hj))
        zs = []
        for kk in range(f2):
            zs.append(sum(vs[j] * w2_ref[j, kk] for j in range(f1))
                      + float(n) * b2_ref[kk])
        m = zs[0]
        for kk in range(1, f2):
            m = jnp.maximum(m, zs[kk])
        es = [jnp.exp(z - m) for z in zs]
        tot = es[0]
        for kk in range(1, f2):
            tot = tot + es[kk]
        inv = 1.0 / tot
        colv = lax.broadcasted_iota(jnp.int32, (1, f2), 1)
        acc = jnp.where(colv == 0, es[0] * inv, 0.0)
        for kk in range(1, f2):
            acc = jnp.where(colv == kk, es[kk] * inv, acc)
        out_ref[...] = acc

    smemspec = pl.BlockSpec(memory_space=pltpu.SMEM)
    return pl.pallas_call(
        body,
        in_specs=[
            pl.BlockSpec((2, rows, _LANES), lambda: (0, 0, 0)),
            pl.BlockSpec((2, rows, _LANES), lambda: (0, 0, 0)),
            pl.BlockSpec((2, rows, _LANES), lambda: (0, 0, 0)),
            smemspec, smemspec, smemspec, smemspec,
        ],
        out_shape=jax.ShapeDtypeStruct((1, f2), jnp.float32),
    )(sp, up, da, W1, b1, W2, b2)


def kernel(x, edge_index, edge_attr, W1, b1, W2, b2):
    n = x.shape[0]
    e = edge_index.shape[1]
    npad = ((n + _LANES - 1) // _LANES) * _LANES

    row1d = edge_index[0]
    col1d = edge_index[1]
    xp = jnp.pad(x[:, 0], (0, npad - n)).reshape(npad // _LANES, _LANES)

    ch1 = _pick_ch(e, 25600)
    ch2 = _pick_ch(e, 2560)

    degp = _sc_degree(col1d, ew1d := edge_attr, npad=npad, e=e, ch=ch1)
    da, packed = _tc_prep(degp.reshape(2, npad // _LANES, _LANES), xp,
                          n=n, npad=npad)
    s_p, u_p = _sc_messages(row1d, col1d, ew1d, packed.reshape(npad),
                            npad=npad, e=e, ch=ch2)
    out = _tc_tail(s_p.reshape(2, npad // _LANES, _LANES),
                   u_p.reshape(2, npad // _LANES, _LANES),
                   da, W1, b1, W2, b2, n=n, npad=npad)
    return out

# --- scband reference (transcript-rebuilt; emitter-appended) ---
"""Pipeline reference for scband-net-63797444214872 (READ-ONLY COPY).

The authoritative reference and input builder live on the scoring server;
editing this copy changes nothing except your own understanding.
"""

import jax, jax.numpy as jnp
import numpy as np

N = 100000
E = 6400000

def setup_inputs(seed: int = 0) -> dict:
    key = jax.random.key(seed)
    k1, k2, k3, k4, k5 = jax.random.split(key, 5)
    x = jax.random.normal(k1, (N, 1), dtype=jnp.float32)
    edge_index = jax.random.randint(k2, (2, E), 0, N, dtype=jnp.int32)
    edge_attr = jax.random.uniform(k3, (E,), dtype=jnp.float32)
    # GCNConv(1, 16) and GCNConv(16, 2) parameters (glorot weights, zero bias)
    W1 = jax.random.normal(k4, (1, 16), dtype=jnp.float32) * jnp.sqrt(2.0 / (1 + 16))
    b1 = jnp.zeros((16,), dtype=jnp.float32)
    W2 = jax.random.normal(k5, (16, 2), dtype=jnp.float32) * jnp.sqrt(2.0 / (16 + 2))
    b2 = jnp.zeros((2,), dtype=jnp.float32)
    return {"x": x, "edge_index": edge_index, "edge_attr": edge_attr,
            "W1": W1, "b1": b1, "W2": W2, "b2": b2}


def _gcn_conv(x, row, col, ew, W, b, num_nodes):
    # x' = x @ W  (lin, no bias); symmetric-normalized scatter-add aggregation; + bias
    xw = x @ W
    deg = jnp.zeros((num_nodes,), dtype=xw.dtype).at[col].add(ew)
    deg_inv_sqrt = jnp.where(deg > 0, jax.lax.rsqrt(jnp.maximum(deg, 1e-12)), 0.0)
    norm = deg_inv_sqrt[row] * ew * deg_inv_sqrt[col]
    msg = norm[:, None] * jnp.take(xw, row, axis=0)
    out = jnp.zeros_like(xw).at[col].add(msg)
    return out + b


def reference(x, edge_index, edge_attr, W1, b1, W2, b2):
    num_nodes = x.shape[0]
    # add self loops once (same loops used by both convs, fill_value=1.0)
    loop = jnp.arange(num_nodes, dtype=edge_index.dtype)
    row = jnp.concatenate([edge_index[0], loop])
    col = jnp.concatenate([edge_index[1], loop])
    ew = jnp.concatenate([edge_attr, jnp.ones((num_nodes,), dtype=edge_attr.dtype)])
    h = _gcn_conv(x, row, col, ew, W1, b1, num_nodes)
    h = jax.nn.relu(h)
    # F.dropout(training=self.training) is identity in eval mode
    h = _gcn_conv(h, row, col, ew, W2, b2, num_nodes)
    s = jnp.sum(h, axis=0)[None, :]
    return jax.nn.softmax(s, axis=1)

if __name__ == "__main__":
    import jax
    _d = setup_inputs()
    print(jax.jit(kernel)(*tuple(_d.values())))

</pallas_src>

<mosaic_0001>
#map = affine_map<(d0, d1) -> (0)>
module attributes {stable_mosaic.version = 14 : i64} {
  func.func @k(%arg0: i32, %arg1: i32, %arg2: memref<6400000xi32, #tpu.memory_space<hbm>>, %arg3: memref<6400000xi32, #tpu.memory_space<hbm>>, %arg4: memref<6400000xf32, #tpu.memory_space<hbm>>, %arg5: memref<100096xi32, #tpu.memory_space<hbm>>, %arg6: memref<200192xf32, #tpu.memory_space<hbm>>, %arg7: memref<200192xf32, #tpu.memory_space<hbm>>, %arg8: memref<2560xi32, #tpu.memory_space<vmem>>, %arg9: memref<2560xi32, #tpu.memory_space<vmem>>, %arg10: memref<2560xf32, #tpu.memory_space<vmem>>, %arg11: memref<2560xf32, #tpu.memory_space<vmem>>, %arg12: memref<2560xf32, #tpu.memory_space<vmem>>, %arg13: memref<3128xf32, #tpu.memory_space<vmem>>, %arg14: memref<100096xi32, #tpu.memory_space<vmem>>, %arg15: memref<100096xf32, #tpu.memory_space<vmem_shared>>, %arg16: memref<100096xf32, #tpu.memory_space<vmem_shared>>, %arg17: memref<!tpu.dma_semaphore, #tpu.memory_space<semaphore_mem>>, %arg18: memref<!tpu.dma_semaphore, #tpu.memory_space<semaphore_mem>>, %arg19: memref<!tpu.dma_semaphore, #tpu.memory_space<semaphore_mem>>, %arg20: memref<!tpu.dma_semaphore, #tpu.memory_space<semaphore_mem>>, %arg21: memref<!tpu.dma_semaphore, #tpu.memory_space<semaphore_mem>>) attributes {dimension_semantics = [#tpu.dimension_semantics<core_parallel>, #tpu.dimension_semantics<subcore_parallel>], iteration_bounds = array<i64: 2, 16>, scalar_prefetch = 0 : i64, scratch_operands = 14 : i64, tpu.core_type = #tpu.core_type<sc_vector_subcore>, window_params = [{transform_indices = #map}, {transform_indices = #map}, {transform_indices = #map}, {transform_indices = #map}, {transform_indices = #map}, {transform_indices = #map}]} {
    %mul3A = arith.constant 16 : i32
    %mul3A_0 = arith.muli %arg0, %mul3A : i32
    %add3A = arith.addi %mul3A_0, %arg1 : i32
    "tpu.region"() ({
      %run_scoped3A = tpu.sem_alloc : memref<!tpu.dma_semaphore, #tpu.memory_space<semaphore_mem>>
      tpu.enqueue_dma source(%arg5 : memref<100096xi32, #tpu.memory_space<hbm>>) target(%arg14 : memref<100096xi32, #tpu.memory_space<vmem>>) target_semaphore(%run_scoped3A : memref<!tpu.dma_semaphore, #tpu.memory_space<semaphore_mem>>)
      tpu.wait_dma2 semaphore(%run_scoped3A : memref<!tpu.dma_semaphore, #tpu.memory_space<semaphore_mem>>) src(%arg5 : memref<100096xi32, #tpu.memory_space<hbm>>) dst(%arg14 : memref<100096xi32, #tpu.memory_space<vmem>>)
      tpu.yield
    }) : () -> ()
    %scan3A = arith.constant 0 : i32
    %scan3A_1 = arith.constant 0 : i32
    %scan3A_2 = arith.constant 195 : i32
    %scan3A_3 = arith.addi %scan3A_1, %scan3A_2 : i32
    %scan3A_4 = arith.constant 1 : i32
    scf.for %scan3A_68 = %scan3A_1 to %scan3A_3 step %scan3A_4  : i32 {
      %broadcast_in_dim3A = arith.constant 0.000000e+00 : f32
      %broadcast_in_dim3A_69 = vector.broadcast %broadcast_in_dim3A : f32 to vector<16xf32>
      %mul3A_70 = arith.constant 16 : i32
      %mul3A_71 = arith.muli %scan3A_68, %mul3A_70 : i32
      %swap3A = arith.index_cast %mul3A_71 : i32 to index
      %swap3A_72 = tpu.vector_load %arg13[%swap3A] {strides = array<i32>} : memref<3128xf32, #tpu.memory_space<vmem>>, vector<16xf32>,
      tpu.vector_store %arg13[%swap3A], %broadcast_in_dim3A_69 {strides = array<i32>} : memref<3128xf32, #tpu.memory_space<vmem>>, vector<16xf32>,
    }
    %scan3A_5 = arith.constant 195 : i32
    %mul3A_6 = arith.constant 6256 : i32
    %mul3A_7 = arith.muli %arg1, %mul3A_6 : i32
    %add3A_8 = arith.constant 0 : i32
    %add3A_9 = arith.addi %mul3A_7, %add3A_8 : i32
    "tpu.region"() ({
      %run_scoped3A = tpu.sem_alloc : memref<!tpu.dma_semaphore, #tpu.memory_space<semaphore_mem>>
      %dma_start3A = tpu.memref_slice %arg15[%add3A_9] : memref<100096xf32, #tpu.memory_space<vmem_shared>> -> memref<3128xf32, #tpu.memory_space<vmem_shared>>
      %dma_start3A_68 = tpu.memref_slice %arg15[%add3A_9] : memref<100096xf32, #tpu.memory_space<vmem_shared>> -> memref<3128xf32, #tpu.memory_space<vmem_shared>>
      tpu.enqueue_dma source(%arg13 : memref<3128xf32, #tpu.memory_space<vmem>>) target(%dma_start3A_68 : memref<3128xf32, #tpu.memory_space<vmem_shared>>) target_semaphore(%run_scoped3A : memref<!tpu.dma_semaphore, #tpu.memory_space<semaphore_mem>>)
      %dma_wait3A = tpu.memref_slice %arg15[%add3A_9] : memref<100096xf32, #tpu.memory_space<vmem_shared>> -> memref<3128xf32, #tpu.memory_space<vmem_shared>>
      %dma_wait3A_69 = tpu.memref_slice %arg15[%add3A_9] : memref<100096xf32, #tpu.memory_space<vmem_shared>> -> memref<3128xf32, #tpu.memory_space<vmem_shared>>
      tpu.wait_dma2 semaphore(%run_scoped3A : memref<!tpu.dma_semaphore, #tpu.memory_space<semaphore_mem>>) src(%arg13 : memref<3128xf32, #tpu.memory_space<vmem>>) dst(%dma_wait3A_69 : memref<3128xf32, #tpu.memory_space<vmem_shared>>)
      tpu.yield
    }) : () -> ()
    "tpu.region"() ({
      %run_scoped3A = tpu.sem_alloc : memref<!tpu.dma_semaphore, #tpu.memory_space<semaphore_mem>>
      %dma_start3A = tpu.memref_slice %arg16[%add3A_9] : memref<100096xf32, #tpu.memory_space<vmem_shared>> -> memref<3128xf32, #tpu.memory_space<vmem_shared>>
      %dma_start3A_68 = tpu.memref_slice %arg16[%add3A_9] : memref<100096xf32, #tpu.memory_space<vmem_shared>> -> memref<3128xf32, #tpu.memory_space<vmem_shared>>
      tpu.enqueue_dma source(%arg13 : memref<3128xf32, #tpu.memory_space<vmem>>) target(%dma_start3A_68 : memref<3128xf32, #tpu.memory_space<vmem_shared>>) target_semaphore(%run_scoped3A : memref<!tpu.dma_semaphore, #tpu.memory_space<semaphore_mem>>)
      %dma_wait3A = tpu.memref_slice %arg16[%add3A_9] : memref<100096xf32, #tpu.memory_space<vmem_shared>> -> memref<3128xf32, #tpu.memory_space<vmem_shared>>
      %dma_wait3A_69 = tpu.memref_slice %arg16[%add3A_9] : memref<100096xf32, #tpu.memory_space<vmem_shared>> -> memref<3128xf32, #tpu.memory_space<vmem_shared>>
      tpu.wait_dma2 semaphore(%run_scoped3A : memref<!tpu.dma_semaphore, #tpu.memory_space<semaphore_mem>>) src(%arg13 : memref<3128xf32, #tpu.memory_space<vmem>>) dst(%dma_wait3A_69 : memref<3128xf32, #tpu.memory_space<vmem_shared>>)
      tpu.yield
    }) : () -> ()
    %mul3A_10 = arith.constant 6256 : i32
    %mul3A_11 = arith.muli %arg1, %mul3A_10 : i32
    %add3A_12 = arith.constant 3128 : i32
    %add3A_13 = arith.addi %mul3A_11, %add3A_12 : i32
    "tpu.region"() ({
      %run_scoped3A = tpu.sem_alloc : memref<!tpu.dma_semaphore, #tpu.memory_space<semaphore_mem>>
      %dma_start3A = tpu.memref_slice %arg15[%add3A_13] : memref<100096xf32, #tpu.memory_space<vmem_shared>> -> memref<3128xf32, #tpu.memory_space<vmem_shared>>
      %dma_start3A_68 = tpu.memref_slice %arg15[%add3A_13] : memref<100096xf32, #tpu.memory_space<vmem_shared>> -> memref<3128xf32, #tpu.memory_space<vmem_shared>>
      tpu.enqueue_dma source(%arg13 : memref<3128xf32, #tpu.memory_space<vmem>>) target(%dma_start3A_68 : memref<3128xf32, #tpu.memory_space<vmem_shared>>) target_semaphore(%run_scoped3A : memref<!tpu.dma_semaphore, #tpu.memory_space<semaphore_mem>>)
      %dma_wait3A = tpu.memref_slice %arg15[%add3A_13] : memref<100096xf32, #tpu.memory_space<vmem_shared>> -> memref<3128xf32, #tpu.memory_space<vmem_shared>>
      %dma_wait3A_69 = tpu.memref_slice %arg15[%add3A_13] : memref<100096xf32, #tpu.memory_space<vmem_shared>> -> memref<3128xf32, #tpu.memory_space<vmem_shared>>
      tpu.wait_dma2 semaphore(%run_scoped3A : memref<!tpu.dma_semaphore, #tpu.memory_space<semaphore_mem>>) src(%arg13 : memref<3128xf32, #tpu.memory_space<vmem>>) dst(%dma_wait3A_69 : memref<3128xf32, #tpu.memory_space<vmem_shared>>)
      tpu.yield
    }) : () -> ()
    "tpu.region"() ({
      %run_scoped3A = tpu.sem_alloc : memref<!tpu.dma_semaphore, #tpu.memory_space<semaphore_mem>>
      %dma_start3A = tpu.memref_slice %arg16[%add3A_13] : memref<100096xf32, #tpu.memory_space<vmem_shared>> -> memref<3128xf32, #tpu.memory_space<vmem_shared>>
      %dma_start3A_68 = tpu.memref_slice %arg16[%add3A_13] : memref<100096xf32, #tpu.memory_space<vmem_shared>> -> memref<3128xf32, #tpu.memory_space<vmem_shared>>
      tpu.enqueue_dma source(%arg13 : memref<3128xf32, #tpu.memory_space<vmem>>) target(%dma_start3A_68 : memref<3128xf32, #tpu.memory_space<vmem_shared>>) target_semaphore(%run_scoped3A : memref<!tpu.dma_semaphore, #tpu.memory_space<semaphore_mem>>)
      %dma_wait3A = tpu.memref_slice %arg16[%add3A_13] : memref<100096xf32, #tpu.memory_space<vmem_shared>> -> memref<3128xf32, #tpu.memory_space<vmem_shared>>
      %dma_wait3A_69 = tpu.memref_slice %arg16[%add3A_13] : memref<100096xf32, #tpu.memory_space<vmem_shared>> -> memref<3128xf32, #tpu.memory_space<vmem_shared>>
      tpu.wait_dma2 semaphore(%run_scoped3A : memref<!tpu.dma_semaphore, #tpu.memory_space<semaphore_mem>>) src(%arg13 : memref<3128xf32, #tpu.memory_space<vmem>>) dst(%dma_wait3A_69 : memref<3128xf32, #tpu.memory_space<vmem_shared>>)
      tpu.yield
    }) : () -> ()
    %barrier3A = arith.constant 0 : index
    tpu.barrier barrier_id(%barrier3A)
    %sub3A = arith.constant 2500 : i32
    %sub3A_14 = arith.subi %sub3A, %add3A : i32
    %add3A_15 = arith.constant 32 : i32
    %add3A_16 = arith.addi %sub3A_14, %add3A_15 : i32
    %sub3A_17 = arith.constant 1 : i32
    %sub3A_18 = arith.subi %add3A_16, %sub3A_17 : i32
    %jit3A = arith.constant 32 : i32
    %div3A = arith.divsi %sub3A_18, %jit3A : i32
    %sign3A = arith.constant 0 : i32
    %sign3A_19 = arith.cmpi sgt, %sub3A_18, %sign3A : i32
    %sign3A_20 = arith.extui %sign3A_19 : i1 to i32
    %sign3A_21 = arith.constant 0 : i32
    %sign3A_22 = arith.cmpi slt, %sub3A_18, %sign3A_21 : i32
    %sign3A_23 = arith.extui %sign3A_22 : i1 to i32
    %sign3A_24 = arith.subi %sign3A_20, %sign3A_23 : i32
    %sign3A_25 = arith.constant 0 : i32
    %sign3A_26 = arith.cmpi sgt, %jit3A, %sign3A_25 : i32
    %sign3A_27 = arith.extui %sign3A_26 : i1 to i32
    %sign3A_28 = arith.constant 0 : i32
    %sign3A_29 = arith.cmpi slt, %jit3A, %sign3A_28 : i32
    %sign3A_30 = arith.extui %sign3A_29 : i1 to i32
    %sign3A_31 = arith.subi %sign3A_27, %sign3A_30 : i32
    %ne3A = arith.cmpi ne, %sign3A_24, %sign3A_31 : i32
    %rem3A = arith.remsi %sub3A_18, %jit3A : i32
    %ne3A_32 = arith.constant 0 : i32
    %ne3A_33 = arith.cmpi ne, %rem3A, %ne3A_32 : i32
    %and3A = arith.andi %ne3A, %ne3A_33 : i1
    %sub3A_34 = arith.constant 1 : i32
    %sub3A_35 = arith.subi %div3A, %sub3A_34 : i32
    %select_n3A = arith.select %and3A, %sub3A_35, %div3A : i32
    %while3A = arith.constant 0 : i32
    %while3A_36 = arith.constant 0 : i32
    %while3A_37 = arith.subi %select_n3A, %while3A_36 : i32
    %while3A_38 = arith.addi %while3A_36, %while3A_37 : i32
    %while3A_39 = arith.constant 1 : i32
    %while3A_40 = arith.divsi %while3A_37, %while3A_39 : i32
    %while3A_41 = arith.muli %while3A_40, %while3A_39 : i32
    %while3A_42 = arith.addi %while3A_36, %while3A_41 : i32
    %while3A_43 = arith.constant 1 : i32
    scf.for %while3A_68 = %while3A_36 to %while3A_42 step %while3A_43  : i32 {
      %mul3A_69 = arith.constant 32 : i32
      %mul3A_70 = arith.muli %while3A_68, %mul3A_69 : i32
      %add3A_71 = arith.addi %add3A, %mul3A_70 : i32
      %mul3A_72 = arith.constant 2560 : i32
      %mul3A_73 = arith.muli %add3A_71, %mul3A_72 : i32
      %dma_start3A = tpu.memref_slice %arg2[%mul3A_73] : memref<6400000xi32, #tpu.memory_space<hbm>> -> memref<2560xi32, #tpu.memory_space<hbm>>
      %dma_start3A_74 = tpu.memref_slice %arg2[%mul3A_73] : memref<6400000xi32, #tpu.memory_space<hbm>> -> memref<2560xi32, #tpu.memory_space<hbm>>
      tpu.enqueue_dma source(%dma_start3A_74 : memref<2560xi32, #tpu.memory_space<hbm>>) target(%arg8 : memref<2560xi32, #tpu.memory_space<vmem>>) target_semaphore(%arg17 : memref<!tpu.dma_semaphore, #tpu.memory_space<semaphore_mem>>)
      %dma_start3A_75 = tpu.memref_slice %arg3[%mul3A_73] : memref<6400000xi32, #tpu.memory_space<hbm>> -> memref<2560xi32, #tpu.memory_space<hbm>>
      %dma_start3A_76 = tpu.memref_slice %arg3[%mul3A_73] : memref<6400000xi32, #tpu.memory_space<hbm>> -> memref<2560xi32, #tpu.memory_space<hbm>>
      tpu.enqueue_dma source(%dma_start3A_76 : memref<2560xi32, #tpu.memory_space<hbm>>) target(%arg9 : memref<2560xi32, #tpu.memory_space<vmem>>) target_semaphore(%arg18 : memref<!tpu.dma_semaphore, #tpu.memory_space<semaphore_mem>>)
      %dma_start3A_77 = tpu.memref_slice %arg4[%mul3A_73] : memref<6400000xf32, #tpu.memory_space<hbm>> -> memref<2560xf32, #tpu.memory_space<hbm>>
      %dma_start3A_78 = tpu.memref_slice %arg4[%mul3A_73] : memref<6400000xf32, #tpu.memory_space<hbm>> -> memref<2560xf32, #tpu.memory_space<hbm>>
      tpu.enqueue_dma source(%dma_start3A_78 : memref<2560xf32, #tpu.memory_space<hbm>>) target(%arg10 : memref<2560xf32, #tpu.memory_space<vmem>>) target_semaphore(%arg19 : memref<!tpu.dma_semaphore, #tpu.memory_space<semaphore_mem>>)
      %dma_wait3A = tpu.memref_slice %arg2[%mul3A_73] : memref<6400000xi32, #tpu.memory_space<hbm>> -> memref<2560xi32, #tpu.memory_space<hbm>>
      %dma_wait3A_79 = tpu.memref_slice %arg2[%mul3A_73] : memref<6400000xi32, #tpu.memory_space<hbm>> -> memref<2560xi32, #tpu.memory_space<hbm>>
      tpu.wait_dma2 semaphore(%arg17 : memref<!tpu.dma_semaphore, #tpu.memory_space<semaphore_mem>>) src(%dma_wait3A_79 : memref<2560xi32, #tpu.memory_space<hbm>>) dst(%arg8 : memref<2560xi32, #tpu.memory_space<vmem>>)
      %dma_wait3A_80 = tpu.memref_slice %arg3[%mul3A_73] : memref<6400000xi32, #tpu.memory_space<hbm>> -> memref<2560xi32, #tpu.memory_space<hbm>>
      %dma_wait3A_81 = tpu.memref_slice %arg3[%mul3A_73] : memref<6400000xi32, #tpu.memory_space<hbm>> -> memref<2560xi32, #tpu.memory_space<hbm>>
      tpu.wait_dma2 semaphore(%arg18 : memref<!tpu.dma_semaphore, #tpu.memory_space<semaphore_mem>>) src(%dma_wait3A_81 : memref<2560xi32, #tpu.memory_space<hbm>>) dst(%arg9 : memref<2560xi32, #tpu.memory_space<vmem>>)
      %dma_wait3A_82 = tpu.memref_slice %arg4[%mul3A_73] : memref<6400000xf32, #tpu.memory_space<hbm>> -> memref<2560xf32, #tpu.memory_space<hbm>>
      %dma_wait3A_83 = tpu.memref_slice %arg4[%mul3A_73] : memref<6400000xf32, #tpu.memory_space<hbm>> -> memref<2560xf32, #tpu.memory_space<hbm>>
      tpu.wait_dma2 semaphore(%arg19 : memref<!tpu.dma_semaphore, #tpu.memory_space<semaphore_mem>>) src(%dma_wait3A_83 : memref<2560xf32, #tpu.memory_space<hbm>>) dst(%arg10 : memref<2560xf32, #tpu.memory_space<vmem>>)
      %parallel_loop3A = arith.constant 0 : i32
      %parallel_loop3A_84 = arith.constant 160 : i32
      %parallel_loop3A_85 = arith.constant 1 : i32
      scf.for %parallel_loop3A_94 = %parallel_loop3A to %parallel_loop3A_84 step %parallel_loop3A_85  : i32 {
        %parallel_loop3A_95 = arith.constant 16 : i32
        %parallel_loop3A_96 = arith.muli %parallel_loop3A_94, %parallel_loop3A_95 : i32
        %parallel_loop3A_97 = arith.index_cast %parallel_loop3A_96 : i32 to index
        %parallel_loop3A_98 = tpu.vector_load %arg8[%parallel_loop3A_97] {strides = array<i32>} : memref<2560xi32, #tpu.memory_space<vmem>>, vector<16xi32>,
        %parallel_loop3A_99 = arith.index_cast %parallel_loop3A_96 : i32 to index
        %parallel_loop3A_100 = tpu.vector_load %arg9[%parallel_loop3A_99] {strides = array<i32>} : memref<2560xi32, #tpu.memory_space<vmem>>, vector<16xi32>,
        %parallel_loop3A_101 = tpu.vector_load_idx %arg14[%parallel_loop3A_98] : memref<100096xi32, #tpu.memory_space<vmem>>[vector<16xi32>], vector<16xi32>,
        %parallel_loop3A_102 = tpu.vector_load_idx %arg14[%parallel_loop3A_100] : memref<100096xi32, #tpu.memory_space<vmem>>[vector<16xi32>], vector<16xi32>,
        %parallel_loop3A_103 = arith.constant -65536 : i32
        %parallel_loop3A_104 = vector.broadcast %parallel_loop3A_103 : i32 to vector<16xi32>
        %parallel_loop3A_105 = arith.andi %parallel_loop3A_101, %parallel_loop3A_104 : vector<16xi32>
        %parallel_loop3A_106 = vector.bitcast %parallel_loop3A_105 : vector<16xi32> to vector<16xf32>
        %parallel_loop3A_107 = arith.constant 16 : i32
        %parallel_loop3A_108 = vector.broadcast %parallel_loop3A_107 : i32 to vector<16xi32>
        %parallel_loop3A_109 = arith.shli %parallel_loop3A_102, %parallel_loop3A_108 : vector<16xi32>
        %parallel_loop3A_110 = vector.bitcast %parallel_loop3A_109 : vector<16xi32> to vector<16xf32>
        %parallel_loop3A_111 = arith.index_cast %parallel_loop3A_96 : i32 to index
        %parallel_loop3A_112 = tpu.vector_load %arg10[%parallel_loop3A_111] {strides = array<i32>} : memref<2560xf32, #tpu.memory_space<vmem>>, vector<16xf32>,
        %parallel_loop3A_113 = arith.mulf %parallel_loop3A_112, %parallel_loop3A_106 : vector<16xf32>
        %parallel_loop3A_114 = arith.index_cast %parallel_loop3A_96 : i32 to index
        %parallel_loop3A_115 = tpu.vector_load %arg11[%parallel_loop3A_114] {strides = array<i32>} : memref<2560xf32, #tpu.memory_space<vmem>>, vector<16xf32>,
        tpu.vector_store %arg11[%parallel_loop3A_114], %parallel_loop3A_113 {strides = array<i32>} : memref<2560xf32, #tpu.memory_space<vmem>>, vector<16xf32>,
        %parallel_loop3A_116 = arith.mulf %parallel_loop3A_112, %parallel_loop3A_110 : vector<16xf32>
        %parallel_loop3A_117 = arith.index_cast %parallel_loop3A_96 : i32 to index
        %parallel_loop3A_118 = tpu.vector_load %arg12[%parallel_loop3A_117] {strides = array<i32>} : memref<2560xf32, #tpu.memory_space<vmem>>, vector<16xf32>,
        tpu.vector_store %arg12[%parallel_loop3A_117], %parallel_loop3A_116 {strides = array<i32>} : memref<2560xf32, #tpu.memory_space<vmem>>, vector<16xf32>,
      } {sc.loop_unroll_factor = 8 : i64, sc.parallel_access}
      %dma_start3A_86 = arith.constant 0 : i32
      %dma_start3A_87 = tpu.memref_slice %arg15[%dma_start3A_86] : memref<100096xf32, #tpu.memory_space<vmem_shared>> -> memref<100096xf32, #tpu.memory_space<vmem_shared>>
      tpu.enqueue_indirect_dma source(%arg11 : memref<2560xf32, #tpu.memory_space<vmem>>) target(%dma_start3A_87 : memref<100096xf32, #tpu.memory_space<vmem_shared>>) offsets(%arg9 : memref<2560xi32, #tpu.memory_space<vmem>>) semaphore(%arg20 : memref<!tpu.dma_semaphore, #tpu.memory_space<semaphore_mem>>) {add = true}
      %dma_start3A_88 = arith.constant 0 : i32
      %dma_start3A_89 = tpu.memref_slice %arg16[%dma_start3A_88] : memref<100096xf32, #tpu.memory_space<vmem_shared>> -> memref<100096xf32, #tpu.memory_space<vmem_shared>>
      tpu.enqueue_indirect_dma source(%arg12 : memref<2560xf32, #tpu.memory_space<vmem>>) target(%dma_start3A_89 : memref<100096xf32, #tpu.memory_space<vmem_shared>>) offsets(%arg8 : memref<2560xi32, #tpu.memory_space<vmem>>) semaphore(%arg21 : memref<!tpu.dma_semaphore, #tpu.memory_space<semaphore_mem>>) {add = true}
      %dma_wait3A_90 = arith.constant 0 : i32
      %dma_wait3A_91 = tpu.memref_slice %arg15[%dma_wait3A_90] : memref<100096xf32, #tpu.memory_space<vmem_shared>> -> memref<100096xf32, #tpu.memory_space<vmem_shared>>
      tpu.wait_indirect_dma semaphore(%arg20 : memref<!tpu.dma_semaphore, #tpu.memory_space<semaphore_mem>>) src(%arg11 : memref<2560xf32, #tpu.memory_space<vmem>>) dst(%dma_wait3A_91 : memref<100096xf32, #tpu.memory_space<vmem_shared>>)
      %dma_wait3A_92 = arith.constant 0 : i32
      %dma_wait3A_93 = tpu.memref_slice %arg16[%dma_wait3A_92] : memref<100096xf32, #tpu.memory_space<vmem_shared>> -> memref<100096xf32, #tpu.memory_space<vmem_shared>>
      tpu.wait_indirect_dma semaphore(%arg21 : memref<!tpu.dma_semaphore, #tpu.memory_space<semaphore_mem>>) src(%arg12 : memref<2560xf32, #tpu.memory_space<vmem>>) dst(%dma_wait3A_93 : memref<100096xf32, #tpu.memory_space<vmem_shared>>)
    }
    %while3A_44 = arith.constant 1 : i32
    scf.for %while3A_68 = %while3A_42 to %while3A_38 step %while3A_44  : i32 {
      %mul3A_69 = arith.constant 32 : i32
      %mul3A_70 = arith.muli %while3A_68, %mul3A_69 : i32
      %add3A_71 = arith.addi %add3A, %mul3A_70 : i32
      %mul3A_72 = arith.constant 2560 : i32
      %mul3A_73 = arith.muli %add3A_71, %mul3A_72 : i32
      %dma_start3A = tpu.memref_slice %arg2[%mul3A_73] : memref<6400000xi32, #tpu.memory_space<hbm>> -> memref<2560xi32, #tpu.memory_space<hbm>>
      %dma_start3A_74 = tpu.memref_slice %arg2[%mul3A_73] : memref<6400000xi32, #tpu.memory_space<hbm>> -> memref<2560xi32, #tpu.memory_space<hbm>>
      tpu.enqueue_dma source(%dma_start3A_74 : memref<2560xi32, #tpu.memory_space<hbm>>) target(%arg8 : memref<2560xi32, #tpu.memory_space<vmem>>) target_semaphore(%arg17 : memref<!tpu.dma_semaphore, #tpu.memory_space<semaphore_mem>>)
      %dma_start3A_75 = tpu.memref_slice %arg3[%mul3A_73] : memref<6400000xi32, #tpu.memory_space<hbm>> -> memref<2560xi32, #tpu.memory_space<hbm>>
      %dma_start3A_76 = tpu.memref_slice %arg3[%mul3A_73] : memref<6400000xi32, #tpu.memory_space<hbm>> -> memref<2560xi32, #tpu.memory_space<hbm>>
      tpu.enqueue_dma source(%dma_start3A_76 : memref<2560xi32, #tpu.memory_space<hbm>>) target(%arg9 : memref<2560xi32, #tpu.memory_space<vmem>>) target_semaphore(%arg18 : memref<!tpu.dma_semaphore, #tpu.memory_space<semaphore_mem>>)
      %dma_start3A_77 = tpu.memref_slice %arg4[%mul3A_73] : memref<6400000xf32, #tpu.memory_space<hbm>> -> memref<2560xf32, #tpu.memory_space<hbm>>
      %dma_start3A_78 = tpu.memref_slice %arg4[%mul3A_73] : memref<6400000xf32, #tpu.memory_space<hbm>> -> memref<2560xf32, #tpu.memory_space<hbm>>
      tpu.enqueue_dma source(%dma_start3A_78 : memref<2560xf32, #tpu.memory_space<hbm>>) target(%arg10 : memref<2560xf32, #tpu.memory_space<vmem>>) target_semaphore(%arg19 : memref<!tpu.dma_semaphore, #tpu.memory_space<semaphore_mem>>)
      %dma_wait3A = tpu.memref_slice %arg2[%mul3A_73] : memref<6400000xi32, #tpu.memory_space<hbm>> -> memref<2560xi32, #tpu.memory_space<hbm>>
      %dma_wait3A_79 = tpu.memref_slice %arg2[%mul3A_73] : memref<6400000xi32, #tpu.memory_space<hbm>> -> memref<2560xi32, #tpu.memory_space<hbm>>
      tpu.wait_dma2 semaphore(%arg17 : memref<!tpu.dma_semaphore, #tpu.memory_space<semaphore_mem>>) src(%dma_wait3A_79 : memref<2560xi32, #tpu.memory_space<hbm>>) dst(%arg8 : memref<2560xi32, #tpu.memory_space<vmem>>)
      %dma_wait3A_80 = tpu.memref_slice %arg3[%mul3A_73] : memref<6400000xi32, #tpu.memory_space<hbm>> -> memref<2560xi32, #tpu.memory_space<hbm>>
      %dma_wait3A_81 = tpu.memref_slice %arg3[%mul3A_73] : memref<6400000xi32, #tpu.memory_space<hbm>> -> memref<2560xi32, #tpu.memory_space<hbm>>
      tpu.wait_dma2 semaphore(%arg18 : memref<!tpu.dma_semaphore, #tpu.memory_space<semaphore_mem>>) src(%dma_wait3A_81 : memref<2560xi32, #tpu.memory_space<hbm>>) dst(%arg9 : memref<2560xi32, #tpu.memory_space<vmem>>)
      %dma_wait3A_82 = tpu.memref_slice %arg4[%mul3A_73] : memref<6400000xf32, #tpu.memory_space<hbm>> -> memref<2560xf32, #tpu.memory_space<hbm>>
      %dma_wait3A_83 = tpu.memref_slice %arg4[%mul3A_73] : memref<6400000xf32, #tpu.memory_space<hbm>> -> memref<2560xf32, #tpu.memory_space<hbm>>
      tpu.wait_dma2 semaphore(%arg19 : memref<!tpu.dma_semaphore, #tpu.memory_space<semaphore_mem>>) src(%dma_wait3A_83 : memref<2560xf32, #tpu.memory_space<hbm>>) dst(%arg10 : memref<2560xf32, #tpu.memory_space<vmem>>)
      %parallel_loop3A = arith.constant 0 : i32
      %parallel_loop3A_84 = arith.constant 160 : i32
      %parallel_loop3A_85 = arith.constant 1 : i32
      scf.for %parallel_loop3A_94 = %parallel_loop3A to %parallel_loop3A_84 step %parallel_loop3A_85  : i32 {
        %parallel_loop3A_95 = arith.constant 16 : i32
        %parallel_loop3A_96 = arith.muli %parallel_loop3A_94, %parallel_loop3A_95 : i32
        %parallel_loop3A_97 = arith.index_cast %parallel_loop3A_96 : i32 to index
        %parallel_loop3A_98 = tpu.vector_load %arg8[%parallel_loop3A_97] {strides = array<i32>} : memref<2560xi32, #tpu.memory_space<vmem>>, vector<16xi32>,
        %parallel_loop3A_99 = arith.index_cast %parallel_loop3A_96 : i32 to index
        %parallel_loop3A_100 = tpu.vector_load %arg9[%parallel_loop3A_99] {strides = array<i32>} : memref<2560xi32, #tpu.memory_space<vmem>>, vector<16xi32>,
        %parallel_loop3A_101 = tpu.vector_load_idx %arg14[%parallel_loop3A_98] : memref<100096xi32, #tpu.memory_space<vmem>>[vector<16xi32>], vector<16xi32>,
        %parallel_loop3A_102 = tpu.vector_load_idx %arg14[%parallel_loop3A_100] : memref<100096xi32, #tpu.memory_space<vmem>>[vector<16xi32>], vector<16xi32>,
        %parallel_loop3A_103 = arith.constant -65536 : i32
        %parallel_loop3A_104 = vector.broadcast %parallel_loop3A_103 : i32 to vector<16xi32>
        %parallel_loop3A_105 = arith.andi %parallel_loop3A_101, %parallel_loop3A_104 : vector<16xi32>
        %parallel_loop3A_106 = vector.bitcast %parallel_loop3A_105 : vector<16xi32> to vector<16xf32>
        %parallel_loop3A_107 = arith.constant 16 : i32
        %parallel_loop3A_108 = vector.broadcast %parallel_loop3A_107 : i32 to vector<16xi32>
        %parallel_loop3A_109 = arith.shli %parallel_loop3A_102, %parallel_loop3A_108 : vector<16xi32>
        %parallel_loop3A_110 = vector.bitcast %parallel_loop3A_109 : vector<16xi32> to vector<16xf32>
        %parallel_loop3A_111 = arith.index_cast %parallel_loop3A_96 : i32 to index
        %parallel_loop3A_112 = tpu.vector_load %arg10[%parallel_loop3A_111] {strides = array<i32>} : memref<2560xf32, #tpu.memory_space<vmem>>, vector<16xf32>,
        %parallel_loop3A_113 = arith.mulf %parallel_loop3A_112, %parallel_loop3A_106 : vector<16xf32>
        %parallel_loop3A_114 = arith.index_cast %parallel_loop3A_96 : i32 to index
        %parallel_loop3A_115 = tpu.vector_load %arg11[%parallel_loop3A_114] {strides = array<i32>} : memref<2560xf32, #tpu.memory_space<vmem>>, vector<16xf32>,
        tpu.vector_store %arg11[%parallel_loop3A_114], %parallel_loop3A_113 {strides = array<i32>} : memref<2560xf32, #tpu.memory_space<vmem>>, vector<16xf32>,
        %parallel_loop3A_116 = arith.mulf %parallel_loop3A_112, %parallel_loop3A_110 : vector<16xf32>
        %parallel_loop3A_117 = arith.index_cast %parallel_loop3A_96 : i32 to index
        %parallel_loop3A_118 = tpu.vector_load %arg12[%parallel_loop3A_117] {strides = array<i32>} : memref<2560xf32, #tpu.memory_space<vmem>>, vector<16xf32>,
        tpu.vector_store %arg12[%parallel_loop3A_117], %parallel_loop3A_116 {strides = array<i32>} : memref<2560xf32, #tpu.memory_space<vmem>>, vector<16xf32>,
      } {sc.loop_unroll_factor = 8 : i64, sc.parallel_access}
      %dma_start3A_86 = arith.constant 0 : i32
      %dma_start3A_87 = tpu.memref_slice %arg15[%dma_start3A_86] : memref<100096xf32, #tpu.memory_space<vmem_shared>> -> memref<100096xf32, #tpu.memory_space<vmem_shared>>
      tpu.enqueue_indirect_dma source(%arg11 : memref<2560xf32, #tpu.memory_space<vmem>>) target(%dma_start3A_87 : memref<100096xf32, #tpu.memory_space<vmem_shared>>) offsets(%arg9 : memref<2560xi32, #tpu.memory_space<vmem>>) semaphore(%arg20 : memref<!tpu.dma_semaphore, #tpu.memory_space<semaphore_mem>>) {add = true}
      %dma_start3A_88 = arith.constant 0 : i32
      %dma_start3A_89 = tpu.memref_slice %arg16[%dma_start3A_88] : memref<100096xf32, #tpu.memory_space<vmem_shared>> -> memref<100096xf32, #tpu.memory_space<vmem_shared>>
      tpu.enqueue_indirect_dma source(%arg12 : memref<2560xf32, #tpu.memory_space<vmem>>) target(%dma_start3A_89 : memref<100096xf32, #tpu.memory_space<vmem_shared>>) offsets(%arg8 : memref<2560xi32, #tpu.memory_space<vmem>>) semaphore(%arg21 : memref<!tpu.dma_semaphore, #tpu.memory_space<semaphore_mem>>) {add = true}
      %dma_wait3A_90 = arith.constant 0 : i32
      %dma_wait3A_91 = tpu.memref_slice %arg15[%dma_wait3A_90] : memref<100096xf32, #tpu.memory_space<vmem_shared>> -> memref<100096xf32, #tpu.memory_space<vmem_shared>>
      tpu.wait_indirect_dma semaphore(%arg20 : memref<!tpu.dma_semaphore, #tpu.memory_space<semaphore_mem>>) src(%arg11 : memref<2560xf32, #tpu.memory_space<vmem>>) dst(%dma_wait3A_91 : memref<100096xf32, #tpu.memory_space<vmem_shared>>)
      %dma_wait3A_92 = arith.constant 0 : i32
      %dma_wait3A_93 = tpu.memref_slice %arg16[%dma_wait3A_92] : memref<100096xf32, #tpu.memory_space<vmem_shared>> -> memref<100096xf32, #tpu.memory_space<vmem_shared>>
      tpu.wait_indirect_dma semaphore(%arg21 : memref<!tpu.dma_semaphore, #tpu.memory_space<semaphore_mem>>) src(%arg12 : memref<2560xf32, #tpu.memory_space<vmem>>) dst(%dma_wait3A_93 : memref<100096xf32, #tpu.memory_space<vmem_shared>>)
    }
    %barrier3A_45 = arith.constant 0 : index
    tpu.barrier barrier_id(%barrier3A_45)
    %mul3A_46 = arith.constant 6256 : i32
    %mul3A_47 = arith.muli %arg1, %mul3A_46 : i32
    %add3A_48 = arith.constant 0 : i32
    %add3A_49 = arith.addi %mul3A_47, %add3A_48 : i32
    %mul3A_50 = arith.constant 100096 : i32
    %mul3A_51 = arith.muli %arg0, %mul3A_50 : i32
    %mul3A_52 = arith.constant 6256 : i32
    %mul3A_53 = arith.muli %arg1, %mul3A_52 : i32
    %add3A_54 = arith.addi %mul3A_51, %mul3A_53 : i32
    %add3A_55 = arith.constant 0 : i32
    %add3A_56 = arith.addi %add3A_54, %add3A_55 : i32
    "tpu.region"() ({
      %run_scoped3A = tpu.sem_alloc : memref<!tpu.dma_semaphore, #tpu.memory_space<semaphore_mem>>
      %dma_start3A = tpu.memref_slice %arg15[%add3A_49] : memref<100096xf32, #tpu.memory_space<vmem_shared>> -> memref<3128xf32, #tpu.memory_space<vmem_shared>>
      %dma_start3A_68 = tpu.memref_slice %arg15[%add3A_49] : memref<100096xf32, #tpu.memory_space<vmem_shared>> -> memref<3128xf32, #tpu.memory_space<vmem_shared>>
      tpu.enqueue_dma source(%dma_start3A_68 : memref<3128xf32, #tpu.memory_space<vmem_shared>>) target(%arg13 : memref<3128xf32, #tpu.memory_space<vmem>>) target_semaphore(%run_scoped3A : memref<!tpu.dma_semaphore, #tpu.memory_space<semaphore_mem>>)
      %dma_wait3A = tpu.memref_slice %arg15[%add3A_49] : memref<100096xf32, #tpu.memory_space<vmem_shared>> -> memref<3128xf32, #tpu.memory_space<vmem_shared>>
      %dma_wait3A_69 = tpu.memref_slice %arg15[%add3A_49] : memref<100096xf32, #tpu.memory_space<vmem_shared>> -> memref<3128xf32, #tpu.memory_space<vmem_shared>>
      tpu.wait_dma2 semaphore(%run_scoped3A : memref<!tpu.dma_semaphore, #tpu.memory_space<semaphore_mem>>) src(%dma_wait3A_69 : memref<3128xf32, #tpu.memory_space<vmem_shared>>) dst(%arg13 : memref<3128xf32, #tpu.memory_space<vmem>>)
      tpu.yield
    }) : () -> ()
    "tpu.region"() ({
      %run_scoped3A = tpu.sem_alloc : memref<!tpu.dma_semaphore, #tpu.memory_space<semaphore_mem>>
      %dma_start3A = tpu.memref_slice %arg6[%add3A_56] : memref<200192xf32, #tpu.memory_space<hbm>> -> memref<3128xf32, #tpu.memory_space<hbm>>
      %dma_start3A_68 = tpu.memref_slice %arg6[%add3A_56] : memref<200192xf32, #tpu.memory_space<hbm>> -> memref<3128xf32, #tpu.memory_space<hbm>>
      tpu.enqueue_dma source(%arg13 : memref<3128xf32, #tpu.memory_space<vmem>>) target(%dma_start3A_68 : memref<3128xf32, #tpu.memory_space<hbm>>) target_semaphore(%run_scoped3A : memref<!tpu.dma_semaphore, #tpu.memory_space<semaphore_mem>>)
      %dma_wait3A = tpu.memref_slice %arg6[%add3A_56] : memref<200192xf32, #tpu.memory_space<hbm>> -> memref<3128xf32, #tpu.memory_space<hbm>>
      %dma_wait3A_69 = tpu.memref_slice %arg6[%add3A_56] : memref<200192xf32, #tpu.memory_space<hbm>> -> memref<3128xf32, #tpu.memory_space<hbm>>
      tpu.wait_dma2 semaphore(%run_scoped3A : memref<!tpu.dma_semaphore, #tpu.memory_space<semaphore_mem>>) src(%arg13 : memref<3128xf32, #tpu.memory_space<vmem>>) dst(%dma_wait3A_69 : memref<3128xf32, #tpu.memory_space<hbm>>)
      tpu.yield
    }) : () -> ()
    "tpu.region"() ({
      %run_scoped3A = tpu.sem_alloc : memref<!tpu.dma_semaphore, #tpu.memory_space<semaphore_mem>>
      %dma_start3A = tpu.memref_slice %arg16[%add3A_49] : memref<100096xf32, #tpu.memory_space<vmem_shared>> -> memref<3128xf32, #tpu.memory_space<vmem_shared>>
      %dma_start3A_68 = tpu.memref_slice %arg16[%add3A_49] : memref<100096xf32, #tpu.memory_space<vmem_shared>> -> memref<3128xf32, #tpu.memory_space<vmem_shared>>
      tpu.enqueue_dma source(%dma_start3A_68 : memref<3128xf32, #tpu.memory_space<vmem_shared>>) target(%arg13 : memref<3128xf32, #tpu.memory_space<vmem>>) target_semaphore(%run_scoped3A : memref<!tpu.dma_semaphore, #tpu.memory_space<semaphore_mem>>)
      %dma_wait3A = tpu.memref_slice %arg16[%add3A_49] : memref<100096xf32, #tpu.memory_space<vmem_shared>> -> memref<3128xf32, #tpu.memory_space<vmem_shared>>
      %dma_wait3A_69 = tpu.memref_slice %arg16[%add3A_49] : memref<100096xf32, #tpu.memory_space<vmem_shared>> -> memref<3128xf32, #tpu.memory_space<vmem_shared>>
      tpu.wait_dma2 semaphore(%run_scoped3A : memref<!tpu.dma_semaphore, #tpu.memory_space<semaphore_mem>>) src(%dma_wait3A_69 : memref<3128xf32, #tpu.memory_space<vmem_shared>>) dst(%arg13 : memref<3128xf32, #tpu.memory_space<vmem>>)
      tpu.yield
    }) : () -> ()
    "tpu.region"() ({
      %run_scoped3A = tpu.sem_alloc : memref<!tpu.dma_semaphore, #tpu.memory_space<semaphore_mem>>
      %dma_start3A = tpu.memref_slice %arg7[%add3A_56] : memref<200192xf32, #tpu.memory_space<hbm>> -> memref<3128xf32, #tpu.memory_space<hbm>>
      %dma_start3A_68 = tpu.memref_slice %arg7[%add3A_56] : memref<200192xf32, #tpu.memory_space<hbm>> -> memref<3128xf32, #tpu.memory_space<hbm>>
      tpu.enqueue_dma source(%arg13 : memref<3128xf32, #tpu.memory_space<vmem>>) target(%dma_start3A_68 : memref<3128xf32, #tpu.memory_space<hbm>>) target_semaphore(%run_scoped3A : memref<!tpu.dma_semaphore, #tpu.memory_space<semaphore_mem>>)
      %dma_wait3A = tpu.memref_slice %arg7[%add3A_56] : memref<200192xf32, #tpu.memory_space<hbm>> -> memref<3128xf32, #tpu.memory_space<hbm>>
      %dma_wait3A_69 = tpu.memref_slice %arg7[%add3A_56] : memref<200192xf32, #tpu.memory_space<hbm>> -> memref<3128xf32, #tpu.memory_space<hbm>>
      tpu.wait_dma2 semaphore(%run_scoped3A : memref<!tpu.dma_semaphore, #tpu.memory_space<semaphore_mem>>) src(%arg13 : memref<3128xf32, #tpu.memory_space<vmem>>) dst(%dma_wait3A_69 : memref<3128xf32, #tpu.memory_space<hbm>>)
      tpu.yield
    }) : () -> ()
    %mul3A_57 = arith.constant 6256 : i32
    %mul3A_58 = arith.muli %arg1, %mul3A_57 : i32
    %add3A_59 = arith.constant 3128 : i32
    %add3A_60 = arith.addi %mul3A_58, %add3A_59 : i32
    %mul3A_61 = arith.constant 100096 : i32
    %mul3A_62 = arith.muli %arg0, %mul3A_61 : i32
    %mul3A_63 = arith.constant 6256 : i32
    %mul3A_64 = arith.muli %arg1, %mul3A_63 : i32
    %add3A_65 = arith.addi %mul3A_62, %mul3A_64 : i32
    %add3A_66 = arith.constant 3128 : i32
    %add3A_67 = arith.addi %add3A_65, %add3A_66 : i32
    "tpu.region"() ({
      %run_scoped3A = tpu.sem_alloc : memref<!tpu.dma_semaphore, #tpu.memory_space<semaphore_mem>>
      %dma_start3A = tpu.memref_slice %arg15[%add3A_60] : memref<100096xf32, #tpu.memory_space<vmem_shared>> -> memref<3128xf32, #tpu.memory_space<vmem_shared>>
      %dma_start3A_68 = tpu.memref_slice %arg15[%add3A_60] : memref<100096xf32, #tpu.memory_space<vmem_shared>> -> memref<3128xf32, #tpu.memory_space<vmem_shared>>
      tpu.enqueue_dma source(%dma_start3A_68 : memref<3128xf32, #tpu.memory_space<vmem_shared>>) target(%arg13 : memref<3128xf32, #tpu.memory_space<vmem>>) target_semaphore(%run_scoped3A : memref<!tpu.dma_semaphore, #tpu.memory_space<semaphore_mem>>)
      %dma_wait3A = tpu.memref_slice %arg15[%add3A_60] : memref<100096xf32, #tpu.memory_space<vmem_shared>> -> memref<3128xf32, #tpu.memory_space<vmem_shared>>
      %dma_wait3A_69 = tpu.memref_slice %arg15[%add3A_60] : memref<100096xf32, #tpu.memory_space<vmem_shared>> -> memref<3128xf32, #tpu.memory_space<vmem_shared>>
      tpu.wait_dma2 semaphore(%run_scoped3A : memref<!tpu.dma_semaphore, #tpu.memory_space<semaphore_mem>>) src(%dma_wait3A_69 : memref<3128xf32, #tpu.memory_space<vmem_shared>>) dst(%arg13 : memref<3128xf32, #tpu.memory_space<vmem>>)
      tpu.yield
    }) : () -> ()
    "tpu.region"() ({
      %run_scoped3A = tpu.sem_alloc : memref<!tpu.dma_semaphore, #tpu.memory_space<semaphore_mem>>
      %dma_start3A = tpu.memref_slice %arg6[%add3A_67] : memref<200192xf32, #tpu.memory_space<hbm>> -> memref<3128xf32, #tpu.memory_space<hbm>>
      %dma_start3A_68 = tpu.memref_slice %arg6[%add3A_67] : memref<200192xf32, #tpu.memory_space<hbm>> -> memref<3128xf32, #tpu.memory_space<hbm>>
      tpu.enqueue_dma source(%arg13 : memref<3128xf32, #tpu.memory_space<vmem>>) target(%dma_start3A_68 : memref<3128xf32, #tpu.memory_space<hbm>>) target_semaphore(%run_scoped3A : memref<!tpu.dma_semaphore, #tpu.memory_space<semaphore_mem>>)
      %dma_wait3A = tpu.memref_slice %arg6[%add3A_67] : memref<200192xf32, #tpu.memory_space<hbm>> -> memref<3128xf32, #tpu.memory_space<hbm>>
      %dma_wait3A_69 = tpu.memref_slice %arg6[%add3A_67] : memref<200192xf32, #tpu.memory_space<hbm>> -> memref<3128xf32, #tpu.memory_space<hbm>>
      tpu.wait_dma2 semaphore(%run_scoped3A : memref<!tpu.dma_semaphore, #tpu.memory_space<semaphore_mem>>) src(%arg13 : memref<3128xf32, #tpu.memory_space<vmem>>) dst(%dma_wait3A_69 : memref<3128xf32, #tpu.memory_space<hbm>>)
      tpu.yield
    }) : () -> ()
    "tpu.region"() ({
      %run_scoped3A = tpu.sem_alloc : memref<!tpu.dma_semaphore, #tpu.memory_space<semaphore_mem>>
      %dma_start3A = tpu.memref_slice %arg16[%add3A_60] : memref<100096xf32, #tpu.memory_space<vmem_shared>> -> memref<3128xf32, #tpu.memory_space<vmem_shared>>
      %dma_start3A_68 = tpu.memref_slice %arg16[%add3A_60] : memref<100096xf32, #tpu.memory_space<vmem_shared>> -> memref<3128xf32, #tpu.memory_space<vmem_shared>>
      tpu.enqueue_dma source(%dma_start3A_68 : memref<3128xf32, #tpu.memory_space<vmem_shared>>) target(%arg13 : memref<3128xf32, #tpu.memory_space<vmem>>) target_semaphore(%run_scoped3A : memref<!tpu.dma_semaphore, #tpu.memory_space<semaphore_mem>>)
      %dma_wait3A = tpu.memref_slice %arg16[%add3A_60] : memref<100096xf32, #tpu.memory_space<vmem_shared>> -> memref<3128xf32, #tpu.memory_space<vmem_shared>>
      %dma_wait3A_69 = tpu.memref_slice %arg16[%add3A_60] : memref<100096xf32, #tpu.memory_space<vmem_shared>> -> memref<3128xf32, #tpu.memory_space<vmem_shared>>
      tpu.wait_dma2 semaphore(%run_scoped3A : memref<!tpu.dma_semaphore, #tpu.memory_space<semaphore_mem>>) src(%dma_wait3A_69 : memref<3128xf32, #tpu.memory_space<vmem_shared>>) dst(%arg13 : memref<3128xf32, #tpu.memory_space<vmem>>)
      tpu.yield
    }) : () -> ()
    "tpu.region"() ({
      %run_scoped3A = tpu.sem_alloc : memref<!tpu.dma_semaphore, #tpu.memory_space<semaphore_mem>>
      %dma_start3A = tpu.memref_slice %arg7[%add3A_67] : memref<200192xf32, #tpu.memory_space<hbm>> -> memref<3128xf32, #tpu.memory_space<hbm>>
      %dma_start3A_68 = tpu.memref_slice %arg7[%add3A_67] : memref<200192xf32, #tpu.memory_space<hbm>> -> memref<3128xf32, #tpu.memory_space<hbm>>
      tpu.enqueue_dma source(%arg13 : memref<3128xf32, #tpu.memory_space<vmem>>) target(%dma_start3A_68 : memref<3128xf32, #tpu.memory_space<hbm>>) target_semaphore(%run_scoped3A : memref<!tpu.dma_semaphore, #tpu.memory_space<semaphore_mem>>)
      %dma_wait3A = tpu.memref_slice %arg7[%add3A_67] : memref<200192xf32, #tpu.memory_space<hbm>> -> memref<3128xf32, #tpu.memory_space<hbm>>
      %dma_wait3A_69 = tpu.memref_slice %arg7[%add3A_67] : memref<200192xf32, #tpu.memory_space<hbm>> -> memref<3128xf32, #tpu.memory_space<hbm>>
      tpu.wait_dma2 semaphore(%run_scoped3A : memref<!tpu.dma_semaphore, #tpu.memory_space<semaphore_mem>>) src(%arg13 : memref<3128xf32, #tpu.memory_space<vmem>>) dst(%dma_wait3A_69 : memref<3128xf32, #tpu.memory_space<hbm>>)
      tpu.yield
    }) : () -> ()
    return
  }
}

#map = affine_map<(d0, d1) -> (0)>
module attributes {stable_mosaic.version = 14 : i64} {
  func.func @k(%arg0: i32, %arg1: i32, %arg2: memref<6400000xi32, #tpu.memory_space<hbm>>, %arg3: memref<6400000xf32, #tpu.memory_space<hbm>>, %arg4: memref<200192xf32, #tpu.memory_space<hbm>>, %arg5: memref<25600xi32, #tpu.memory_space<vmem>>, %arg6: memref<25600xf32, #tpu.memory_space<vmem>>, %arg7: memref<6256xf32, #tpu.memory_space<vmem>>, %arg8: memref<100096xf32, #tpu.memory_space<vmem_shared>>) attributes {dimension_semantics = [#tpu.dimension_semantics<core_parallel>, #tpu.dimension_semantics<subcore_parallel>], iteration_bounds = array<i64: 2, 16>, scalar_prefetch = 0 : i64, scratch_operands = 4 : i64, tpu.core_type = #tpu.core_type<sc_vector_subcore>, window_params = [{transform_indices = #map}, {transform_indices = #map}, {transform_indices = #map}]} {
    %mul3A = arith.constant 16 : i32
    %mul3A_0 = arith.muli %arg0, %mul3A : i32
    %add3A = arith.addi %mul3A_0, %arg1 : i32
    %mul3A_1 = arith.constant 6256 : i32
    %mul3A_2 = arith.muli %arg1, %mul3A_1 : i32
    %scan3A = arith.constant 0 : i32
    %scan3A_3 = arith.constant 0 : i32
    %scan3A_4 = arith.constant 391 : i32
    %scan3A_5 = arith.addi %scan3A_3, %scan3A_4 : i32
    %scan3A_6 = arith.constant 1 : i32
    scf.for %scan3A_45 = %scan3A_3 to %scan3A_5 step %scan3A_6  : i32 {
      %broadcast_in_dim3A = arith.constant 0.000000e+00 : f32
      %broadcast_in_dim3A_46 = vector.broadcast %broadcast_in_dim3A : f32 to vector<16xf32>
      %mul3A_47 = arith.constant 16 : i32
      %mul3A_48 = arith.muli %scan3A_45, %mul3A_47 : i32
      %swap3A = arith.index_cast %mul3A_48 : i32 to index
      %swap3A_49 = tpu.vector_load %arg7[%swap3A] {strides = array<i32>} : memref<6256xf32, #tpu.memory_space<vmem>>, vector<16xf32>,
      %swap3A_50 = vector.shape_cast %swap3A_49 : vector<16xf32> to vector<16xf32>
      %swap3A_51 = vector.shape_cast %broadcast_in_dim3A_46 : vector<16xf32> to vector<16xf32>
      tpu.vector_store %arg7[%swap3A], %swap3A_51 {strides = array<i32>} : memref<6256xf32, #tpu.memory_space<vmem>>, vector<16xf32>,
    }
    %scan3A_7 = arith.constant 391 : i32
    "tpu.region"() ({
      %run_scoped3A = tpu.sem_alloc : memref<!tpu.dma_semaphore, #tpu.memory_space<semaphore_mem>>
      %dma_start3A = tpu.memref_slice %arg8[%mul3A_2] : memref<100096xf32, #tpu.memory_space<vmem_shared>> -> memref<6256xf32, #tpu.memory_space<vmem_shared>>
      %dma_start3A_45 = tpu.memref_slice %arg8[%mul3A_2] : memref<100096xf32, #tpu.memory_space<vmem_shared>> -> memref<6256xf32, #tpu.memory_space<vmem_shared>>
      tpu.enqueue_dma source(%arg7 : memref<6256xf32, #tpu.memory_space<vmem>>) target(%dma_start3A_45 : memref<6256xf32, #tpu.memory_space<vmem_shared>>) target_semaphore(%run_scoped3A : memref<!tpu.dma_semaphore, #tpu.memory_space<semaphore_mem>>)
      %dma_wait3A = tpu.memref_slice %arg8[%mul3A_2] : memref<100096xf32, #tpu.memory_space<vmem_shared>> -> memref<6256xf32, #tpu.memory_space<vmem_shared>>
      %dma_wait3A_46 = tpu.memref_slice %arg8[%mul3A_2] : memref<100096xf32, #tpu.memory_space<vmem_shared>> -> memref<6256xf32, #tpu.memory_space<vmem_shared>>
      tpu.wait_dma2 semaphore(%run_scoped3A : memref<!tpu.dma_semaphore, #tpu.memory_space<semaphore_mem>>) src(%arg7 : memref<6256xf32, #tpu.memory_space<vmem>>) dst(%dma_wait3A_46 : memref<6256xf32, #tpu.memory_space<vmem_shared>>)
      tpu.yield
    }) : () -> ()
    %barrier3A = arith.constant 0 : index
    tpu.barrier barrier_id(%barrier3A)
    %sub3A = arith.constant 250 : i32
    %sub3A_8 = arith.subi %sub3A, %add3A : i32
    %add3A_9 = arith.constant 32 : i32
    %add3A_10 = arith.addi %sub3A_8, %add3A_9 : i32
    %sub3A_11 = arith.constant 1 : i32
    %sub3A_12 = arith.subi %add3A_10, %sub3A_11 : i32
    %jit3A = arith.constant 32 : i32
    %div3A = arith.divsi %sub3A_12, %jit3A : i32
    %sign3A = arith.constant 0 : i32
    %sign3A_13 = arith.cmpi sgt, %sub3A_12, %sign3A : i32
    %sign3A_14 = arith.extui %sign3A_13 : i1 to i32
    %sign3A_15 = arith.constant 0 : i32
    %sign3A_16 = arith.cmpi slt, %sub3A_12, %sign3A_15 : i32
    %sign3A_17 = arith.extui %sign3A_16 : i1 to i32
    %sign3A_18 = arith.subi %sign3A_14, %sign3A_17 : i32
    %sign3A_19 = arith.constant 0 : i32
    %sign3A_20 = arith.cmpi sgt, %jit3A, %sign3A_19 : i32
    %sign3A_21 = arith.extui %sign3A_20 : i1 to i32
    %sign3A_22 = arith.constant 0 : i32
    %sign3A_23 = arith.cmpi slt, %jit3A, %sign3A_22 : i32
    %sign3A_24 = arith.extui %sign3A_23 : i1 to i32
    %sign3A_25 = arith.subi %sign3A_21, %sign3A_24 : i32
    %ne3A = arith.cmpi ne, %sign3A_18, %sign3A_25 : i32
    %rem3A = arith.remsi %sub3A_12, %jit3A : i32
    %ne3A_26 = arith.constant 0 : i32
    %ne3A_27 = arith.cmpi ne, %rem3A, %ne3A_26 : i32
    %and3A = arith.andi %ne3A, %ne3A_27 : i1
    %sub3A_28 = arith.constant 1 : i32
    %sub3A_29 = arith.subi %div3A, %sub3A_28 : i32
    %select_n3A = arith.select %and3A, %sub3A_29, %div3A : i32
    %while3A = arith.constant 0 : i32
    %while3A_30 = arith.constant 0 : i32
    %while3A_31 = arith.subi %select_n3A, %while3A_30 : i32
    %while3A_32 = arith.addi %while3A_30, %while3A_31 : i32
    %while3A_33 = arith.constant 1 : i32
    %while3A_34 = arith.divsi %while3A_31, %while3A_33 : i32
    %while3A_35 = arith.muli %while3A_34, %while3A_33 : i32
    %while3A_36 = arith.addi %while3A_30, %while3A_35 : i32
    %while3A_37 = arith.constant 1 : i32
    scf.for %while3A_45 = %while3A_30 to %while3A_36 step %while3A_37  : i32 {
      %mul3A_46 = arith.constant 32 : i32
      %mul3A_47 = arith.muli %while3A_45, %mul3A_46 : i32
      %add3A_48 = arith.addi %add3A, %mul3A_47 : i32
      %mul3A_49 = arith.constant 25600 : i32
      %mul3A_50 = arith.muli %add3A_48, %mul3A_49 : i32
      "tpu.region"() ({
        %run_scoped3A = tpu.sem_alloc : memref<!tpu.dma_semaphore, #tpu.memory_space<semaphore_mem>>
        %dma_start3A = tpu.memref_slice %arg2[%mul3A_50] : memref<6400000xi32, #tpu.memory_space<hbm>> -> memref<25600xi32, #tpu.memory_space<hbm>>
        %dma_start3A_51 = tpu.memref_slice %arg2[%mul3A_50] : memref<6400000xi32, #tpu.memory_space<hbm>> -> memref<25600xi32, #tpu.memory_space<hbm>>
        tpu.enqueue_dma source(%dma_start3A_51 : memref<25600xi32, #tpu.memory_space<hbm>>) target(%arg5 : memref<25600xi32, #tpu.memory_space<vmem>>) target_semaphore(%run_scoped3A : memref<!tpu.dma_semaphore, #tpu.memory_space<semaphore_mem>>)
        %dma_wait3A = tpu.memref_slice %arg2[%mul3A_50] : memref<6400000xi32, #tpu.memory_space<hbm>> -> memref<25600xi32, #tpu.memory_space<hbm>>
        %dma_wait3A_52 = tpu.memref_slice %arg2[%mul3A_50] : memref<6400000xi32, #tpu.memory_space<hbm>> -> memref<25600xi32, #tpu.memory_space<hbm>>
        tpu.wait_dma2 semaphore(%run_scoped3A : memref<!tpu.dma_semaphore, #tpu.memory_space<semaphore_mem>>) src(%dma_wait3A_52 : memref<25600xi32, #tpu.memory_space<hbm>>) dst(%arg5 : memref<25600xi32, #tpu.memory_space<vmem>>)
        tpu.yield
      }) : () -> ()
      "tpu.region"() ({
        %run_scoped3A = tpu.sem_alloc : memref<!tpu.dma_semaphore, #tpu.memory_space<semaphore_mem>>
        %dma_start3A = tpu.memref_slice %arg3[%mul3A_50] : memref<6400000xf32, #tpu.memory_space<hbm>> -> memref<25600xf32, #tpu.memory_space<hbm>>
        %dma_start3A_51 = tpu.memref_slice %arg3[%mul3A_50] : memref<6400000xf32, #tpu.memory_space<hbm>> -> memref<25600xf32, #tpu.memory_space<hbm>>
        tpu.enqueue_dma source(%dma_start3A_51 : memref<25600xf32, #tpu.memory_space<hbm>>) target(%arg6 : memref<25600xf32, #tpu.memory_space<vmem>>) target_semaphore(%run_scoped3A : memref<!tpu.dma_semaphore, #tpu.memory_space<semaphore_mem>>)
        %dma_wait3A = tpu.memref_slice %arg3[%mul3A_50] : memref<6400000xf32, #tpu.memory_space<hbm>> -> memref<25600xf32, #tpu.memory_space<hbm>>
        %dma_wait3A_52 = tpu.memref_slice %arg3[%mul3A_50] : memref<6400000xf32, #tpu.memory_space<hbm>> -> memref<25600xf32, #tpu.memory_space<hbm>>
        tpu.wait_dma2 semaphore(%run_scoped3A : memref<!tpu.dma_semaphore, #tpu.memory_space<semaphore_mem>>) src(%dma_wait3A_52 : memref<25600xf32, #tpu.memory_space<hbm>>) dst(%arg6 : memref<25600xf32, #tpu.memory_space<vmem>>)
        tpu.yield
      }) : () -> ()
      "tpu.region"() ({
        %run_scoped3A = tpu.sem_alloc : memref<!tpu.dma_semaphore, #tpu.memory_space<semaphore_mem>>
        %dma_start3A = arith.constant 0 : i32
        %dma_start3A_51 = tpu.memref_slice %arg8[%dma_start3A] : memref<100096xf32, #tpu.memory_space<vmem_shared>> -> memref<100096xf32, #tpu.memory_space<vmem_shared>>
        tpu.enqueue_indirect_dma source(%arg6 : memref<25600xf32, #tpu.memory_space<vmem>>) target(%dma_start3A_51 : memref<100096xf32, #tpu.memory_space<vmem_shared>>) offsets(%arg5 : memref<25600xi32, #tpu.memory_space<vmem>>) semaphore(%run_scoped3A : memref<!tpu.dma_semaphore, #tpu.memory_space<semaphore_mem>>) {add = true}
        %dma_wait3A = arith.constant 0 : i32
        %dma_wait3A_52 = tpu.memref_slice %arg8[%dma_wait3A] : memref<100096xf32, #tpu.memory_space<vmem_shared>> -> memref<100096xf32, #tpu.memory_space<vmem_shared>>
        tpu.wait_indirect_dma semaphore(%run_scoped3A : memref<!tpu.dma_semaphore, #tpu.memory_space<semaphore_mem>>) src(%arg6 : memref<25600xf32, #tpu.memory_space<vmem>>) dst(%dma_wait3A_52 : memref<100096xf32, #tpu.memory_space<vmem_shared>>)
        tpu.yield
      }) : () -> ()
    }
    %while3A_38 = arith.constant 1 : i32
    scf.for %while3A_45 = %while3A_36 to %while3A_32 step %while3A_38  : i32 {
      %mul3A_46 = arith.constant 32 : i32
      %mul3A_47 = arith.muli %while3A_45, %mul3A_46 : i32
      %add3A_48 = arith.addi %add3A, %mul3A_47 : i32
      %mul3A_49 = arith.constant 25600 : i32
      %mul3A_50 = arith.muli %add3A_48, %mul3A_49 : i32
      "tpu.region"() ({
        %run_scoped3A = tpu.sem_alloc : memref<!tpu.dma_semaphore, #tpu.memory_space<semaphore_mem>>
        %dma_start3A = tpu.memref_slice %arg2[%mul3A_50] : memref<6400000xi32, #tpu.memory_space<hbm>> -> memref<25600xi32, #tpu.memory_space<hbm>>
        %dma_start3A_51 = tpu.memref_slice %arg2[%mul3A_50] : memref<6400000xi32, #tpu.memory_space<hbm>> -> memref<25600xi32, #tpu.memory_space<hbm>>
        tpu.enqueue_dma source(%dma_start3A_51 : memref<25600xi32, #tpu.memory_space<hbm>>) target(%arg5 : memref<25600xi32, #tpu.memory_space<vmem>>) target_semaphore(%run_scoped3A : memref<!tpu.dma_semaphore, #tpu.memory_space<semaphore_mem>>)
        %dma_wait3A = tpu.memref_slice %arg2[%mul3A_50] : memref<6400000xi32, #tpu.memory_space<hbm>> -> memref<25600xi32, #tpu.memory_space<hbm>>
        %dma_wait3A_52 = tpu.memref_slice %arg2[%mul3A_50] : memref<6400000xi32, #tpu.memory_space<hbm>> -> memref<25600xi32, #tpu.memory_space<hbm>>
        tpu.wait_dma2 semaphore(%run_scoped3A : memref<!tpu.dma_semaphore, #tpu.memory_space<semaphore_mem>>) src(%dma_wait3A_52 : memref<25600xi32, #tpu.memory_space<hbm>>) dst(%arg5 : memref<25600xi32, #tpu.memory_space<vmem>>)
        tpu.yield
      }) : () -> ()
      "tpu.region"() ({
        %run_scoped3A = tpu.sem_alloc : memref<!tpu.dma_semaphore, #tpu.memory_space<semaphore_mem>>
        %dma_start3A = tpu.memref_slice %arg3[%mul3A_50] : memref<6400000xf32, #tpu.memory_space<hbm>> -> memref<25600xf32, #tpu.memory_space<hbm>>
        %dma_start3A_51 = tpu.memref_slice %arg3[%mul3A_50] : memref<6400000xf32, #tpu.memory_space<hbm>> -> memref<25600xf32, #tpu.memory_space<hbm>>
        tpu.enqueue_dma source(%dma_start3A_51 : memref<25600xf32, #tpu.memory_space<hbm>>) target(%arg6 : memref<25600xf32, #tpu.memory_space<vmem>>) target_semaphore(%run_scoped3A : memref<!tpu.dma_semaphore, #tpu.memory_space<semaphore_mem>>)
        %dma_wait3A = tpu.memref_slice %arg3[%mul3A_50] : memref<6400000xf32, #tpu.memory_space<hbm>> -> memref<25600xf32, #tpu.memory_space<hbm>>
        %dma_wait3A_52 = tpu.memref_slice %arg3[%mul3A_50] : memref<6400000xf32, #tpu.memory_space<hbm>> -> memref<25600xf32, #tpu.memory_space<hbm>>
        tpu.wait_dma2 semaphore(%run_scoped3A : memref<!tpu.dma_semaphore, #tpu.memory_space<semaphore_mem>>) src(%dma_wait3A_52 : memref<25600xf32, #tpu.memory_space<hbm>>) dst(%arg6 : memref<25600xf32, #tpu.memory_space<vmem>>)
        tpu.yield
      }) : () -> ()
      "tpu.region"() ({
        %run_scoped3A = tpu.sem_alloc : memref<!tpu.dma_semaphore, #tpu.memory_space<semaphore_mem>>
        %dma_start3A = arith.constant 0 : i32
        %dma_start3A_51 = tpu.memref_slice %arg8[%dma_start3A] : memref<100096xf32, #tpu.memory_space<vmem_shared>> -> memref<100096xf32, #tpu.memory_space<vmem_shared>>
        tpu.enqueue_indirect_dma source(%arg6 : memref<25600xf32, #tpu.memory_space<vmem>>) target(%dma_start3A_51 : memref<100096xf32, #tpu.memory_space<vmem_shared>>) offsets(%arg5 : memref<25600xi32, #tpu.memory_space<vmem>>) semaphore(%run_scoped3A : memref<!tpu.dma_semaphore, #tpu.memory_space<semaphore_mem>>) {add = true}
        %dma_wait3A = arith.constant 0 : i32
        %dma_wait3A_52 = tpu.memref_slice %arg8[%dma_wait3A] : memref<100096xf32, #tpu.memory_space<vmem_shared>> -> memref<100096xf32, #tpu.memory_space<vmem_shared>>
        tpu.wait_indirect_dma semaphore(%run_scoped3A : memref<!tpu.dma_semaphore, #tpu.memory_space<semaphore_mem>>) src(%arg6 : memref<25600xf32, #tpu.memory_space<vmem>>) dst(%dma_wait3A_52 : memref<100096xf32, #tpu.memory_space<vmem_shared>>)
        tpu.yield
      }) : () -> ()
    }
    %barrier3A_39 = arith.constant 0 : index
    tpu.barrier barrier_id(%barrier3A_39)
    "tpu.region"() ({
      %run_scoped3A = tpu.sem_alloc : memref<!tpu.dma_semaphore, #tpu.memory_space<semaphore_mem>>
      %dma_start3A = tpu.memref_slice %arg8[%mul3A_2] : memref<100096xf32, #tpu.memory_space<vmem_shared>> -> memref<6256xf32, #tpu.memory_space<vmem_shared>>
      %dma_start3A_45 = tpu.memref_slice %arg8[%mul3A_2] : memref<100096xf32, #tpu.memory_space<vmem_shared>> -> memref<6256xf32, #tpu.memory_space<vmem_shared>>
      tpu.enqueue_dma source(%dma_start3A_45 : memref<6256xf32, #tpu.memory_space<vmem_shared>>) target(%arg7 : memref<6256xf32, #tpu.memory_space<vmem>>) target_semaphore(%run_scoped3A : memref<!tpu.dma_semaphore, #tpu.memory_space<semaphore_mem>>)
      %dma_wait3A = tpu.memref_slice %arg8[%mul3A_2] : memref<100096xf32, #tpu.memory_space<vmem_shared>> -> memref<6256xf32, #tpu.memory_space<vmem_shared>>
      %dma_wait3A_46 = tpu.memref_slice %arg8[%mul3A_2] : memref<100096xf32, #tpu.memory_space<vmem_shared>> -> memref<6256xf32, #tpu.memory_space<vmem_shared>>
      tpu.wait_dma2 semaphore(%run_scoped3A : memref<!tpu.dma_semaphore, #tpu.memory_space<semaphore_mem>>) src(%dma_wait3A_46 : memref<6256xf32, #tpu.memory_space<vmem_shared>>) dst(%arg7 : memref<6256xf32, #tpu.memory_space<vmem>>)
      tpu.yield
    }) : () -> ()
    %mul3A_40 = arith.constant 100096 : i32
    %mul3A_41 = arith.muli %arg0, %mul3A_40 : i32
    %mul3A_42 = arith.constant 6256 : i32
    %mul3A_43 = arith.muli %arg1, %mul3A_42 : i32
    %add3A_44 = arith.addi %mul3A_41, %mul3A_43 : i32
    "tpu.region"() ({
      %run_scoped3A = tpu.sem_alloc : memref<!tpu.dma_semaphore, #tpu.memory_space<semaphore_mem>>
      %dma_start3A = tpu.memref_slice %arg4[%add3A_44] : memref<200192xf32, #tpu.memory_space<hbm>> -> memref<6256xf32, #tpu.memory_space<hbm>>
      %dma_start3A_45 = tpu.memref_slice %arg4[%add3A_44] : memref<200192xf32, #tpu.memory_space<hbm>> -> memref<6256xf32, #tpu.memory_space<hbm>>
      tpu.enqueue_dma source(%arg7 : memref<6256xf32, #tpu.memory_space<vmem>>) target(%dma_start3A_45 : memref<6256xf32, #tpu.memory_space<hbm>>) target_semaphore(%run_scoped3A : memref<!tpu.dma_semaphore, #tpu.memory_space<semaphore_mem>>)
      %dma_wait3A = tpu.memref_slice %arg4[%add3A_44] : memref<200192xf32, #tpu.memory_space<hbm>> -> memref<6256xf32, #tpu.memory_space<hbm>>
      %dma_wait3A_46 = tpu.memref_slice %arg4[%add3A_44] : memref<200192xf32, #tpu.memory_space<hbm>> -> memref<6256xf32, #tpu.memory_space<hbm>>
      tpu.wait_dma2 semaphore(%run_scoped3A : memref<!tpu.dma_semaphore, #tpu.memory_space<semaphore_mem>>) src(%arg7 : memref<6256xf32, #tpu.memory_space<vmem>>) dst(%dma_wait3A_46 : memref<6256xf32, #tpu.memory_space<hbm>>)
      tpu.yield
    }) : () -> ()
    return
  }
}

module attributes {stable_mosaic.version = 14 : i64} {
  func.func @body(%arg0: memref<2x782x128xf32, #tpu.memory_space<vmem>>, %arg1: memref<782x128xf32, #tpu.memory_space<vmem>>, %arg2: memref<2x782x128xf32, #tpu.memory_space<vmem>>, %arg3: memref<782x128xi32, #tpu.memory_space<vmem>>) attributes {dimension_semantics = [], scalar_prefetch = 0 : i64, scratch_operands = 0 : i64, tpu.core_type = #tpu.core_type<tc>} {
    %get3A = arith.constant 0 : index
    %get3A_0 = arith.constant 0 : index
    %get3A_1 = arith.constant 0 : index
    %get3A_2 = vector.load %arg0[%get3A, %get3A_0, %get3A_1] : memref<2x782x128xf32, #tpu.memory_space<vmem>>, vector<1x782x128xf32>
    %get3A_3 = vector.shape_cast %get3A_2 : vector<1x782x128xf32> to vector<782x128xf32>
    %get3A_4 = arith.constant 1 : index
    %get3A_5 = arith.constant 0 : index
    %get3A_6 = arith.constant 0 : index
    %get3A_7 = vector.load %arg0[%get3A_4, %get3A_5, %get3A_6] : memref<2x782x128xf32, #tpu.memory_space<vmem>>, vector<1x782x128xf32>
    %get3A_8 = vector.shape_cast %get3A_7 : vector<1x782x128xf32> to vector<782x128xf32>
    %add3A = arith.addf %get3A_3, %get3A_8 : vector<782x128xf32>
    %add3A_9 = arith.constant 1.000000e+00 : f32
    %add3A_10 = vector.broadcast %add3A_9 : f32 to vector<782x128xf32>
    %add3A_11 = arith.addf %add3A, %add3A_10 : vector<782x128xf32>
    %rsqrt3A = math.rsqrt %add3A_11 : vector<782x128xf32>
    %iota3A = tpu.iota {dimensions = array<i32: 0>} : vector<782x128xi32>
    %iota3A_12 = tpu.iota {dimensions = array<i32: 1>} : vector<782x128xi32>
    %mul3A = arith.constant 128 : i32
    %mul3A_13 = vector.broadcast %mul3A : i32 to vector<782x128xi32>
    %mul3A_14 = arith.muli %iota3A, %mul3A_13 : vector<782x128xi32>
    %add3A_15 = arith.addi %mul3A_14, %iota3A_12 : vector<782x128xi32>
    %lt3A = arith.constant 100000 : i32
    %lt3A_16 = vector.broadcast %lt3A : i32 to vector<782x128xi32>
    %lt3A_17 = arith.cmpi slt, %add3A_15, %lt3A_16 : vector<782x128xi32>
    %jit3A = arith.constant 0.000000e+00 : f32
    %broadcast_in_dim3A = vector.broadcast %jit3A : f32 to vector<782x128xf32>
    %select_n3A = arith.select %lt3A_17, %rsqrt3A, %broadcast_in_dim3A : vector<782x128xi1>, vector<782x128xf32>
    %get3A_18 = arith.constant 0 : index
    %get3A_19 = arith.constant 0 : index
    %get3A_20 = vector.load %arg1[%get3A_18, %get3A_19] : memref<782x128xf32, #tpu.memory_space<vmem>>, vector<782x128xf32>
    %mul3A_21 = arith.mulf %select_n3A, %get3A_20 : vector<782x128xf32>
    %swap3A = arith.constant 0 : index
    %swap3A_22 = arith.constant 0 : index
    %swap3A_23 = arith.constant 0 : index
    %swap3A_24 = vector.load %arg2[%swap3A, %swap3A_22, %swap3A_23] : memref<2x782x128xf32, #tpu.memory_space<vmem>>, vector<1x782x128xf32>
    %swap3A_25 = vector.shape_cast %swap3A_24 : vector<1x782x128xf32> to vector<782x128xf32>
    %swap3A_26 = vector.shape_cast %select_n3A : vector<782x128xf32> to vector<1x782x128xf32>
    tpu.vector_store %arg2[%swap3A, %swap3A_22, %swap3A_23], %swap3A_26 {strides = array<i32>} : memref<2x782x128xf32, #tpu.memory_space<vmem>>, vector<1x782x128xf32>,
    %swap3A_27 = arith.constant 1 : index
    %swap3A_28 = arith.constant 0 : index
    %swap3A_29 = arith.constant 0 : index
    %swap3A_30 = vector.load %arg2[%swap3A_27, %swap3A_28, %swap3A_29] : memref<2x782x128xf32, #tpu.memory_space<vmem>>, vector<1x782x128xf32>
    %swap3A_31 = vector.shape_cast %swap3A_30 : vector<1x782x128xf32> to vector<782x128xf32>
    %swap3A_32 = vector.shape_cast %mul3A_21 : vector<782x128xf32> to vector<1x782x128xf32>
    tpu.vector_store %arg2[%swap3A_27, %swap3A_28, %swap3A_29], %swap3A_32 {strides = array<i32>} : memref<2x782x128xf32, #tpu.memory_space<vmem>>, vector<1x782x128xf32>,
    %bitcast_convert_type3A = tpu.bitcast %mul3A_21 : vector<782x128xf32> -> vector<782x128xi32>
    %add3A_33 = arith.constant 32768 : i32
    %add3A_34 = vector.broadcast %add3A_33 : i32 to vector<782x128xi32>
    %add3A_35 = arith.addi %bitcast_convert_type3A, %add3A_34 : vector<782x128xi32>
    %bitcast_convert_type3A_36 = tpu.bitcast %select_n3A : vector<782x128xf32> -> vector<782x128xi32>
    %add3A_37 = arith.constant 32768 : i32
    %add3A_38 = vector.broadcast %add3A_37 : i32 to vector<782x128xi32>
    %add3A_39 = arith.addi %bitcast_convert_type3A_36, %add3A_38 : vector<782x128xi32>
    %and3A = arith.constant -65536 : i32
    %and3A_40 = vector.broadcast %and3A : i32 to vector<782x128xi32>
    %and3A_41 = arith.andi %add3A_35, %and3A_40 : vector<782x128xi32>
    %shift_right_logical3A = arith.constant 16 : i32
    %shift_right_logical3A_42 = vector.broadcast %shift_right_logical3A : i32 to vector<782x128xi32>
    %shift_right_logical3A_43 = arith.shrui %add3A_39, %shift_right_logical3A_42 : vector<782x128xi32>
    %or3A = arith.ori %and3A_41, %shift_right_logical3A_43 : vector<782x128xi32>
    %bitcast_convert_type3A_44 = tpu.bitcast %or3A : vector<782x128xi32> -> vector<782x128xi32>
    %swap3A_45 = arith.constant 0 : index
    %swap3A_46 = arith.constant 0 : index
    %swap3A_47 = vector.load %arg3[%swap3A_45, %swap3A_46] : memref<782x128xi32, #tpu.memory_space<vmem>>, vector<782x128xi32>
    tpu.vector_store %arg3[%swap3A_45, %swap3A_46], %bitcast_convert_type3A_44 {strides = array<i32>} : memref<782x128xi32, #tpu.memory_space<vmem>>, vector<782x128xi32>,
    return
  }
}

module attributes {stable_mosaic.version = 14 : i64} {
  func.func @body(%arg0: memref<2x782x128xf32, #tpu.memory_space<vmem>>, %arg1: memref<2x782x128xf32, #tpu.memory_space<vmem>>, %arg2: memref<2x782x128xf32, #tpu.memory_space<vmem>>, %arg3: memref<1x16xf32, #tpu.memory_space<smem>>, %arg4: memref<16xf32, #tpu.memory_space<smem>>, %arg5: memref<16x2xf32, #tpu.memory_space<smem>>, %arg6: memref<2xf32, #tpu.memory_space<smem>>, %arg7: memref<1x2xf32, #tpu.memory_space<vmem>>) attributes {dimension_semantics = [], scalar_prefetch = 0 : i64, scratch_operands = 0 : i64, tpu.core_type = #tpu.core_type<tc>} {
    %get3A = arith.constant 0 : index
    %get3A_0 = arith.constant 0 : index
    %get3A_1 = arith.constant 0 : index
    %get3A_2 = vector.load %arg2[%get3A, %get3A_0, %get3A_1] : memref<2x782x128xf32, #tpu.memory_space<vmem>>, vector<1x782x128xf32>
    %get3A_3 = vector.shape_cast %get3A_2 : vector<1x782x128xf32> to vector<782x128xf32>
    %get3A_4 = arith.constant 1 : index
    %get3A_5 = arith.constant 0 : index
    %get3A_6 = arith.constant 0 : index
    %get3A_7 = vector.load %arg2[%get3A_4, %get3A_5, %get3A_6] : memref<2x782x128xf32, #tpu.memory_space<vmem>>, vector<1x782x128xf32>
    %get3A_8 = vector.shape_cast %get3A_7 : vector<1x782x128xf32> to vector<782x128xf32>
    %get3A_9 = arith.constant 0 : index
    %get3A_10 = arith.constant 0 : index
    %get3A_11 = arith.constant 0 : index
    %get3A_12 = vector.load %arg0[%get3A_9, %get3A_10, %get3A_11] : memref<2x782x128xf32, #tpu.memory_space<vmem>>, vector<1x782x128xf32>
    %get3A_13 = vector.shape_cast %get3A_12 : vector<1x782x128xf32> to vector<782x128xf32>
    %get3A_14 = arith.constant 1 : index
    %get3A_15 = arith.constant 0 : index
    %get3A_16 = arith.constant 0 : index
    %get3A_17 = vector.load %arg0[%get3A_14, %get3A_15, %get3A_16] : memref<2x782x128xf32, #tpu.memory_space<vmem>>, vector<1x782x128xf32>
    %get3A_18 = vector.shape_cast %get3A_17 : vector<1x782x128xf32> to vector<782x128xf32>
    %add3A = arith.addf %get3A_13, %get3A_18 : vector<782x128xf32>
    %add3A_19 = arith.addf %add3A, %get3A_8 : vector<782x128xf32>
    %mul3A = arith.mulf %get3A_3, %add3A_19 : vector<782x128xf32>
    %get3A_20 = arith.constant 0 : index
    %get3A_21 = arith.constant 0 : index
    %get3A_22 = arith.constant 0 : index
    %get3A_23 = vector.load %arg1[%get3A_20, %get3A_21, %get3A_22] : memref<2x782x128xf32, #tpu.memory_space<vmem>>, vector<1x782x128xf32>
    %get3A_24 = vector.shape_cast %get3A_23 : vector<1x782x128xf32> to vector<782x128xf32>
    %get3A_25 = arith.constant 1 : index
    %get3A_26 = arith.constant 0 : index
    %get3A_27 = arith.constant 0 : index
    %get3A_28 = vector.load %arg1[%get3A_25, %get3A_26, %get3A_27] : memref<2x782x128xf32, #tpu.memory_space<vmem>>, vector<1x782x128xf32>
    %get3A_29 = vector.shape_cast %get3A_28 : vector<1x782x128xf32> to vector<782x128xf32>
    %add3A_30 = arith.addf %get3A_24, %get3A_29 : vector<782x128xf32>
    %add3A_31 = arith.addf %add3A_30, %get3A_3 : vector<782x128xf32>
    %mul3A_32 = arith.mulf %get3A_3, %add3A_31 : vector<782x128xf32>
    %get3A_33 = arith.constant 0 : index
    %get3A_34 = arith.constant 0 : index
    %get3A_35 = memref.load %arg3[%get3A_33, %get3A_34] : memref<1x16xf32, #tpu.memory_space<smem>>
    %mul3A_36 = vector.broadcast %get3A_35 : f32 to vector<782x128xf32>
    %mul3A_37 = arith.mulf %mul3A, %mul3A_36 : vector<782x128xf32>
    %get3A_38 = arith.constant 0 : index
    %get3A_39 = memref.load %arg4[%get3A_38] : memref<16xf32, #tpu.memory_space<smem>>
    %add3A_40 = vector.broadcast %get3A_39 : f32 to vector<782x128xf32>
    %add3A_41 = arith.addf %mul3A_37, %add3A_40 : vector<782x128xf32>
    %max3A = arith.constant 0.000000e+00 : f32
    %max3A_42 = vector.broadcast %max3A : f32 to vector<782x128xf32>
    %max3A_43 = arith.maximumf %add3A_41, %max3A_42 : vector<782x128xf32>
    %mul3A_44 = arith.mulf %mul3A_32, %max3A_43 : vector<782x128xf32>
    %reduce_sum3A = vector.shape_cast %mul3A_44 : vector<782x128xf32> to vector<1x782x128xf32>
    %reduce_sum3A_45 = arith.constant dense<0.000000e+00> : vector<1xf32>
    %reduce_sum3A_46 = vector.multi_reduction <add>, %reduce_sum3A, %reduce_sum3A_45 [1, 2] : vector<1x782x128xf32> to vector<1xf32>
    %reduce_sum3A_47 = vector.shape_cast %reduce_sum3A_46 : vector<1xf32> to vector<1x1x1xf32>
    %reduce_sum3A_48 = vector.extract %reduce_sum3A_47[0, 0, 0] : f32 from vector<1x1x1xf32>
    %get3A_49 = arith.constant 0 : index
    %get3A_50 = arith.constant 1 : index
    %get3A_51 = memref.load %arg3[%get3A_49, %get3A_50] : memref<1x16xf32, #tpu.memory_space<smem>>
    %mul3A_52 = vector.broadcast %get3A_51 : f32 to vector<782x128xf32>
    %mul3A_53 = arith.mulf %mul3A, %mul3A_52 : vector<782x128xf32>
    %get3A_54 = arith.constant 1 : index
    %get3A_55 = memref.load %arg4[%get3A_54] : memref<16xf32, #tpu.memory_space<smem>>
    %add3A_56 = vector.broadcast %get3A_55 : f32 to vector<782x128xf32>
    %add3A_57 = arith.addf %mul3A_53, %add3A_56 : vector<782x128xf32>
    %max3A_58 = arith.constant 0.000000e+00 : f32
    %max3A_59 = vector.broadcast %max3A_58 : f32 to vector<782x128xf32>
    %max3A_60 = arith.maximumf %add3A_57, %max3A_59 : vector<782x128xf32>
    %mul3A_61 = arith.mulf %mul3A_32, %max3A_60 : vector<782x128xf32>
    %reduce_sum3A_62 = vector.shape_cast %mul3A_61 : vector<782x128xf32> to vector<1x782x128xf32>
    %reduce_sum3A_63 = arith.constant dense<0.000000e+00> : vector<1xf32>
    %reduce_sum3A_64 = vector.multi_reduction <add>, %reduce_sum3A_62, %reduce_sum3A_63 [1, 2] : vector<1x782x128xf32> to vector<1xf32>
    %reduce_sum3A_65 = vector.shape_cast %reduce_sum3A_64 : vector<1xf32> to vector<1x1x1xf32>
    %reduce_sum3A_66 = vector.extract %reduce_sum3A_65[0, 0, 0] : f32 from vector<1x1x1xf32>
    %get3A_67 = arith.constant 0 : index
    %get3A_68 = arith.constant 2 : index
    %get3A_69 = memref.load %arg3[%get3A_67, %get3A_68] : memref<1x16xf32, #tpu.memory_space<smem>>
    %mul3A_70 = vector.broadcast %get3A_69 : f32 to vector<782x128xf32>
    %mul3A_71 = arith.mulf %mul3A, %mul3A_70 : vector<782x128xf32>
    %get3A_72 = arith.constant 2 : index
    %get3A_73 = memref.load %arg4[%get3A_72] : memref<16xf32, #tpu.memory_space<smem>>
    %add3A_74 = vector.broadcast %get3A_73 : f32 to vector<782x128xf32>
    %add3A_75 = arith.addf %mul3A_71, %add3A_74 : vector<782x128xf32>
    %max3A_76 = arith.constant 0.000000e+00 : f32
    %max3A_77 = vector.broadcast %max3A_76 : f32 to vector<782x128xf32>
    %max3A_78 = arith.maximumf %add3A_75, %max3A_77 : vector<782x128xf32>
    %mul3A_79 = arith.mulf %mul3A_32, %max3A_78 : vector<782x128xf32>
    %reduce_sum3A_80 = vector.shape_cast %mul3A_79 : vector<782x128xf32> to vector<1x782x128xf32>
    %reduce_sum3A_81 = arith.constant dense<0.000000e+00> : vector<1xf32>
    %reduce_sum3A_82 = vector.multi_reduction <add>, %reduce_sum3A_80, %reduce_sum3A_81 [1, 2] : vector<1x782x128xf32> to vector<1xf32>
    %reduce_sum3A_83 = vector.shape_cast %reduce_sum3A_82 : vector<1xf32> to vector<1x1x1xf32>
    %reduce_sum3A_84 = vector.extract %reduce_sum3A_83[0, 0, 0] : f32 from vector<1x1x1xf32>
    %get3A_85 = arith.constant 0 : index
    %get3A_86 = arith.constant 3 : index
    %get3A_87 = memref.load %arg3[%get3A_85, %get3A_86] : memref<1x16xf32, #tpu.memory_space<smem>>
    %mul3A_88 = vector.broadcast %get3A_87 : f32 to vector<782x128xf32>
    %mul3A_89 = arith.mulf %mul3A, %mul3A_88 : vector<782x128xf32>
    %get3A_90 = arith.constant 3 : index
    %get3A_91 = memref.load %arg4[%get3A_90] : memref<16xf32, #tpu.memory_space<smem>>
    %add3A_92 = vector.broadcast %get3A_91 : f32 to vector<782x128xf32>
    %add3A_93 = arith.addf %mul3A_89, %add3A_92 : vector<782x128xf32>
    %max3A_94 = arith.constant 0.000000e+00 : f32
    %max3A_95 = vector.broadcast %max3A_94 : f32 to vector<782x128xf32>
    %max3A_96 = arith.maximumf %add3A_93, %max3A_95 : vector<782x128xf32>
    %mul3A_97 = arith.mulf %mul3A_32, %max3A_96 : vector<782x128xf32>
    %reduce_sum3A_98 = vector.shape_cast %mul3A_97 : vector<782x128xf32> to vector<1x782x128xf32>
    %reduce_sum3A_99 = arith.constant dense<0.000000e+00> : vector<1xf32>
    %reduce_sum3A_100 = vector.multi_reduction <add>, %reduce_sum3A_98, %reduce_sum3A_99 [1, 2] : vector<1x782x128xf32> to vector<1xf32>
    %reduce_sum3A_101 = vector.shape_cast %reduce_sum3A_100 : vector<1xf32> to vector<1x1x1xf32>
    %reduce_sum3A_102 = vector.extract %reduce_sum3A_101[0, 0, 0] : f32 from vector<1x1x1xf32>
    %get3A_103 = arith.constant 0 : index
    %get3A_104 = arith.constant 4 : index
    %get3A_105 = memref.load %arg3[%get3A_103, %get3A_104] : memref<1x16xf32, #tpu.memory_space<smem>>
    %mul3A_106 = vector.broadcast %get3A_105 : f32 to vector<782x128xf32>
    %mul3A_107 = arith.mulf %mul3A, %mul3A_106 : vector<782x128xf32>
    %get3A_108 = arith.constant 4 : index
    %get3A_109 = memref.load %arg4[%get3A_108] : memref<16xf32, #tpu.memory_space<smem>>
    %add3A_110 = vector.broadcast %get3A_109 : f32 to vector<782x128xf32>
    %add3A_111 = arith.addf %mul3A_107, %add3A_110 : vector<782x128xf32>
    %max3A_112 = arith.constant 0.000000e+00 : f32
    %max3A_113 = vector.broadcast %max3A_112 : f32 to vector<782x128xf32>
    %max3A_114 = arith.maximumf %add3A_111, %max3A_113 : vector<782x128xf32>
    %mul3A_115 = arith.mulf %mul3A_32, %max3A_114 : vector<782x128xf32>
    %reduce_sum3A_116 = vector.shape_cast %mul3A_115 : vector<782x128xf32> to vector<1x782x128xf32>
    %reduce_sum3A_117 = arith.constant dense<0.000000e+00> : vector<1xf32>
    %reduce_sum3A_118 = vector.multi_reduction <add>, %reduce_sum3A_116, %reduce_sum3A_117 [1, 2] : vector<1x782x128xf32> to vector<1xf32>
    %reduce_sum3A_119 = vector.shape_cast %reduce_sum3A_118 : vector<1xf32> to vector<1x1x1xf32>
    %reduce_sum3A_120 = vector.extract %reduce_sum3A_119[0, 0, 0] : f32 from vector<1x1x1xf32>
    %get3A_121 = arith.constant 0 : index
    %get3A_122 = arith.constant 5 : index
    %get3A_123 = memref.load %arg3[%get3A_121, %get3A_122] : memref<1x16xf32, #tpu.memory_space<smem>>
    %mul3A_124 = vector.broadcast %get3A_123 : f32 to vector<782x128xf32>
    %mul3A_125 = arith.mulf %mul3A, %mul3A_124 : vector<782x128xf32>
    %get3A_126 = arith.constant 5 : index
    %get3A_127 = memref.load %arg4[%get3A_126] : memref<16xf32, #tpu.memory_space<smem>>
    %add3A_128 = vector.broadcast %get3A_127 : f32 to vector<782x128xf32>
    %add3A_129 = arith.addf %mul3A_125, %add3A_128 : vector<782x128xf32>
    %max3A_130 = arith.constant 0.000000e+00 : f32
    %max3A_131 = vector.broadcast %max3A_130 : f32 to vector<782x128xf32>
    %max3A_132 = arith.maximumf %add3A_129, %max3A_131 : vector<782x128xf32>
    %mul3A_133 = arith.mulf %mul3A_32, %max3A_132 : vector<782x128xf32>
    %reduce_sum3A_134 = vector.shape_cast %mul3A_133 : vector<782x128xf32> to vector<1x782x128xf32>
    %reduce_sum3A_135 = arith.constant dense<0.000000e+00> : vector<1xf32>
    %reduce_sum3A_136 = vector.multi_reduction <add>, %reduce_sum3A_134, %reduce_sum3A_135 [1, 2] : vector<1x782x128xf32> to vector<1xf32>
    %reduce_sum3A_137 = vector.shape_cast %reduce_sum3A_136 : vector<1xf32> to vector<1x1x1xf32>
    %reduce_sum3A_138 = vector.extract %reduce_sum3A_137[0, 0, 0] : f32 from vector<1x1x1xf32>
    %get3A_139 = arith.constant 0 : index
    %get3A_140 = arith.constant 6 : index
    %get3A_141 = memref.load %arg3[%get3A_139, %get3A_140] : memref<1x16xf32, #tpu.memory_space<smem>>
    %mul3A_142 = vector.broadcast %get3A_141 : f32 to vector<782x128xf32>
    %mul3A_143 = arith.mulf %mul3A, %mul3A_142 : vector<782x128xf32>
    %get3A_144 = arith.constant 6 : index
    %get3A_145 = memref.load %arg4[%get3A_144] : memref<16xf32, #tpu.memory_space<smem>>
    %add3A_146 = vector.broadcast %get3A_145 : f32 to vector<782x128xf32>
    %add3A_147 = arith.addf %mul3A_143, %add3A_146 : vector<782x128xf32>
    %max3A_148 = arith.constant 0.000000e+00 : f32
    %max3A_149 = vector.broadcast %max3A_148 : f32 to vector<782x128xf32>
    %max3A_150 = arith.maximumf %add3A_147, %max3A_149 : vector<782x128xf32>
    %mul3A_151 = arith.mulf %mul3A_32, %max3A_150 : vector<782x128xf32>
    %reduce_sum3A_152 = vector.shape_cast %mul3A_151 : vector<782x128xf32> to vector<1x782x128xf32>
    %reduce_sum3A_153 = arith.constant dense<0.000000e+00> : vector<1xf32>
    %reduce_sum3A_154 = vector.multi_reduction <add>, %reduce_sum3A_152, %reduce_sum3A_153 [1, 2] : vector<1x782x128xf32> to vector<1xf32>
    %reduce_sum3A_155 = vector.shape_cast %reduce_sum3A_154 : vector<1xf32> to vector<1x1x1xf32>
    %reduce_sum3A_156 = vector.extract %reduce_sum3A_155[0, 0, 0] : f32 from vector<1x1x1xf32>
    %get3A_157 = arith.constant 0 : index
    %get3A_158 = arith.constant 7 : index
    %get3A_159 = memref.load %arg3[%get3A_157, %get3A_158] : memref<1x16xf32, #tpu.memory_space<smem>>
    %mul3A_160 = vector.broadcast %get3A_159 : f32 to vector<782x128xf32>
    %mul3A_161 = arith.mulf %mul3A, %mul3A_160 : vector<782x128xf32>
    %get3A_162 = arith.constant 7 : index
    %get3A_163 = memref.load %arg4[%get3A_162] : memref<16xf32, #tpu.memory_space<smem>>
    %add3A_164 = vector.broadcast %get3A_163 : f32 to vector<782x128xf32>
    %add3A_165 = arith.addf %mul3A_161, %add3A_164 : vector<782x128xf32>
    %max3A_166 = arith.constant 0.000000e+00 : f32
    %max3A_167 = vector.broadcast %max3A_166 : f32 to vector<782x128xf32>
    %max3A_168 = arith.maximumf %add3A_165, %max3A_167 : vector<782x128xf32>
    %mul3A_169 = arith.mulf %mul3A_32, %max3A_168 : vector<782x128xf32>
    %reduce_sum3A_170 = vector.shape_cast %mul3A_169 : vector<782x128xf32> to vector<1x782x128xf32>
    %reduce_sum3A_171 = arith.constant dense<0.000000e+00> : vector<1xf32>
    %reduce_sum3A_172 = vector.multi_reduction <add>, %reduce_sum3A_170, %reduce_sum3A_171 [1, 2] : vector<1x782x128xf32> to vector<1xf32>
    %reduce_sum3A_173 = vector.shape_cast %reduce_sum3A_172 : vector<1xf32> to vector<1x1x1xf32>
    %reduce_sum3A_174 = vector.extract %reduce_sum3A_173[0, 0, 0] : f32 from vector<1x1x1xf32>
    %get3A_175 = arith.constant 0 : index
    %get3A_176 = arith.constant 8 : index
    %get3A_177 = memref.load %arg3[%get3A_175, %get3A_176] : memref<1x16xf32, #tpu.memory_space<smem>>
    %mul3A_178 = vector.broadcast %get3A_177 : f32 to vector<782x128xf32>
    %mul3A_179 = arith.mulf %mul3A, %mul3A_178 : vector<782x128xf32>
    %get3A_180 = arith.constant 8 : index
    %get3A_181 = memref.load %arg4[%get3A_180] : memref<16xf32, #tpu.memory_space<smem>>
    %add3A_182 = vector.broadcast %get3A_181 : f32 to vector<782x128xf32>
    %add3A_183 = arith.addf %mul3A_179, %add3A_182 : vector<782x128xf32>
    %max3A_184 = arith.constant 0.000000e+00 : f32
    %max3A_185 = vector.broadcast %max3A_184 : f32 to vector<782x128xf32>
    %max3A_186 = arith.maximumf %add3A_183, %max3A_185 : vector<782x128xf32>
    %mul3A_187 = arith.mulf %mul3A_32, %max3A_186 : vector<782x128xf32>
    %reduce_sum3A_188 = vector.shape_cast %mul3A_187 : vector<782x128xf32> to vector<1x782x128xf32>
    %reduce_sum3A_189 = arith.constant dense<0.000000e+00> : vector<1xf32>
    %reduce_sum3A_190 = vector.multi_reduction <add>, %reduce_sum3A_188, %reduce_sum3A_189 [1, 2] : vector<1x782x128xf32> to vector<1xf32>
    %reduce_sum3A_191 = vector.shape_cast %reduce_sum3A_190 : vector<1xf32> to vector<1x1x1xf32>
    %reduce_sum3A_192 = vector.extract %reduce_sum3A_191[0, 0, 0] : f32 from vector<1x1x1xf32>
    %get3A_193 = arith.constant 0 : index
    %get3A_194 = arith.constant 9 : index
    %get3A_195 = memref.load %arg3[%get3A_193, %get3A_194] : memref<1x16xf32, #tpu.memory_space<smem>>
    %mul3A_196 = vector.broadcast %get3A_195 : f32 to vector<782x128xf32>
    %mul3A_197 = arith.mulf %mul3A, %mul3A_196 : vector<782x128xf32>
    %get3A_198 = arith.constant 9 : index
    %get3A_199 = memref.load %arg4[%get3A_198] : memref<16xf32, #tpu.memory_space<smem>>
    %add3A_200 = vector.broadcast %get3A_199 : f32 to vector<782x128xf32>
    %add3A_201 = arith.addf %mul3A_197, %add3A_200 : vector<782x128xf32>
    %max3A_202 = arith.constant 0.000000e+00 : f32
    %max3A_203 = vector.broadcast %max3A_202 : f32 to vector<782x128xf32>
    %max3A_204 = arith.maximumf %add3A_201, %max3A_203 : vector<782x128xf32>
    %mul3A_205 = arith.mulf %mul3A_32, %max3A_204 : vector<782x128xf32>
    %reduce_sum3A_206 = vector.shape_cast %mul3A_205 : vector<782x128xf32> to vector<1x782x128xf32>
    %reduce_sum3A_207 = arith.constant dense<0.000000e+00> : vector<1xf32>
    %reduce_sum3A_208 = vector.multi_reduction <add>, %reduce_sum3A_206, %reduce_sum3A_207 [1, 2] : vector<1x782x128xf32> to vector<1xf32>
    %reduce_sum3A_209 = vector.shape_cast %reduce_sum3A_208 : vector<1xf32> to vector<1x1x1xf32>
    %reduce_sum3A_210 = vector.extract %reduce_sum3A_209[0, 0, 0] : f32 from vector<1x1x1xf32>
    %get3A_211 = arith.constant 0 : index
    %get3A_212 = arith.constant 10 : index
    %get3A_213 = memref.load %arg3[%get3A_211, %get3A_212] : memref<1x16xf32, #tpu.memory_space<smem>>
    %mul3A_214 = vector.broadcast %get3A_213 : f32 to vector<782x128xf32>
    %mul3A_215 = arith.mulf %mul3A, %mul3A_214 : vector<782x128xf32>
    %get3A_216 = arith.constant 10 : index
    %get3A_217 = memref.load %arg4[%get3A_216] : memref<16xf32, #tpu.memory_space<smem>>
    %add3A_218 = vector.broadcast %get3A_217 : f32 to vector<782x128xf32>
    %add3A_219 = arith.addf %mul3A_215, %add3A_218 : vector<782x128xf32>
    %max3A_220 = arith.constant 0.000000e+00 : f32
    %max3A_221 = vector.broadcast %max3A_220 : f32 to vector<782x128xf32>
    %max3A_222 = arith.maximumf %add3A_219, %max3A_221 : vector<782x128xf32>
    %mul3A_223 = arith.mulf %mul3A_32, %max3A_222 : vector<782x128xf32>
    %reduce_sum3A_224 = vector.shape_cast %mul3A_223 : vector<782x128xf32> to vector<1x782x128xf32>
    %reduce_sum3A_225 = arith.constant dense<0.000000e+00> : vector<1xf32>
    %reduce_sum3A_226 = vector.multi_reduction <add>, %reduce_sum3A_224, %reduce_sum3A_225 [1, 2] : vector<1x782x128xf32> to vector<1xf32>
    %reduce_sum3A_227 = vector.shape_cast %reduce_sum3A_226 : vector<1xf32> to vector<1x1x1xf32>
    %reduce_sum3A_228 = vector.extract %reduce_sum3A_227[0, 0, 0] : f32 from vector<1x1x1xf32>
    %get3A_229 = arith.constant 0 : index
    %get3A_230 = arith.constant 11 : index
    %get3A_231 = memref.load %arg3[%get3A_229, %get3A_230] : memref<1x16xf32, #tpu.memory_space<smem>>
    %mul3A_232 = vector.broadcast %get3A_231 : f32 to vector<782x128xf32>
    %mul3A_233 = arith.mulf %mul3A, %mul3A_232 : vector<782x128xf32>
    %get3A_234 = arith.constant 11 : index
    %get3A_235 = memref.load %arg4[%get3A_234] : memref<16xf32, #tpu.memory_space<smem>>
    %add3A_236 = vector.broadcast %get3A_235 : f32 to vector<782x128xf32>
    %add3A_237 = arith.addf %mul3A_233, %add3A_236 : vector<782x128xf32>
    %max3A_238 = arith.constant 0.000000e+00 : f32
    %max3A_239 = vector.broadcast %max3A_238 : f32 to vector<782x128xf32>
    %max3A_240 = arith.maximumf %add3A_237, %max3A_239 : vector<782x128xf32>
    %mul3A_241 = arith.mulf %mul3A_32, %max3A_240 : vector<782x128xf32>
    %reduce_sum3A_242 = vector.shape_cast %mul3A_241 : vector<782x128xf32> to vector<1x782x128xf32>
    %reduce_sum3A_243 = arith.constant dense<0.000000e+00> : vector<1xf32>
    %reduce_sum3A_244 = vector.multi_reduction <add>, %reduce_sum3A_242, %reduce_sum3A_243 [1, 2] : vector<1x782x128xf32> to vector<1xf32>
    %reduce_sum3A_245 = vector.shape_cast %reduce_sum3A_244 : vector<1xf32> to vector<1x1x1xf32>
    %reduce_sum3A_246 = vector.extract %reduce_sum3A_245[0, 0, 0] : f32 from vector<1x1x1xf32>
    %get3A_247 = arith.constant 0 : index
    %get3A_248 = arith.constant 12 : index
    %get3A_249 = memref.load %arg3[%get3A_247, %get3A_248] : memref<1x16xf32, #tpu.memory_space<smem>>
    %mul3A_250 = vector.broadcast %get3A_249 : f32 to vector<782x128xf32>
    %mul3A_251 = arith.mulf %mul3A, %mul3A_250 : vector<782x128xf32>
    %get3A_252 = arith.constant 12 : index
    %get3A_253 = memref.load %arg4[%get3A_252] : memref<16xf32, #tpu.memory_space<smem>>
    %add3A_254 = vector.broadcast %get3A_253 : f32 to vector<782x128xf32>
    %add3A_255 = arith.addf %mul3A_251, %add3A_254 : vector<782x128xf32>
    %max3A_256 = arith.constant 0.000000e+00 : f32
    %max3A_257 = vector.broadcast %max3A_256 : f32 to vector<782x128xf32>
    %max3A_258 = arith.maximumf %add3A_255, %max3A_257 : vector<782x128xf32>
    %mul3A_259 = arith.mulf %mul3A_32, %max3A_258 : vector<782x128xf32>
    %reduce_sum3A_260 = vector.shape_cast %mul3A_259 : vector<782x128xf32> to vector<1x782x128xf32>
    %reduce_sum3A_261 = arith.constant dense<0.000000e+00> : vector<1xf32>
    %reduce_sum3A_262 = vector.multi_reduction <add>, %reduce_sum3A_260, %reduce_sum3A_261 [1, 2] : vector<1x782x128xf32> to vector<1xf32>
    %reduce_sum3A_263 = vector.shape_cast %reduce_sum3A_262 : vector<1xf32> to vector<1x1x1xf32>
    %reduce_sum3A_264 = vector.extract %reduce_sum3A_263[0, 0, 0] : f32 from vector<1x1x1xf32>
    %get3A_265 = arith.constant 0 : index
    %get3A_266 = arith.constant 13 : index
    %get3A_267 = memref.load %arg3[%get3A_265, %get3A_266] : memref<1x16xf32, #tpu.memory_space<smem>>
    %mul3A_268 = vector.broadcast %get3A_267 : f32 to vector<782x128xf32>
    %mul3A_269 = arith.mulf %mul3A, %mul3A_268 : vector<782x128xf32>
    %get3A_270 = arith.constant 13 : index
    %get3A_271 = memref.load %arg4[%get3A_270] : memref<16xf32, #tpu.memory_space<smem>>
    %add3A_272 = vector.broadcast %get3A_271 : f32 to vector<782x128xf32>
    %add3A_273 = arith.addf %mul3A_269, %add3A_272 : vector<782x128xf32>
    %max3A_274 = arith.constant 0.000000e+00 : f32
    %max3A_275 = vector.broadcast %max3A_274 : f32 to vector<782x128xf32>
    %max3A_276 = arith.maximumf %add3A_273, %max3A_275 : vector<782x128xf32>
    %mul3A_277 = arith.mulf %mul3A_32, %max3A_276 : vector<782x128xf32>
    %reduce_sum3A_278 = vector.shape_cast %mul3A_277 : vector<782x128xf32> to vector<1x782x128xf32>
    %reduce_sum3A_279 = arith.constant dense<0.000000e+00> : vector<1xf32>
    %reduce_sum3A_280 = vector.multi_reduction <add>, %reduce_sum3A_278, %reduce_sum3A_279 [1, 2] : vector<1x782x128xf32> to vector<1xf32>
    %reduce_sum3A_281 = vector.shape_cast %reduce_sum3A_280 : vector<1xf32> to vector<1x1x1xf32>
    %reduce_sum3A_282 = vector.extract %reduce_sum3A_281[0, 0, 0] : f32 from vector<1x1x1xf32>
    %get3A_283 = arith.constant 0 : index
    %get3A_284 = arith.constant 14 : index
    %get3A_285 = memref.load %arg3[%get3A_283, %get3A_284] : memref<1x16xf32, #tpu.memory_space<smem>>
    %mul3A_286 = vector.broadcast %get3A_285 : f32 to vector<782x128xf32>
    %mul3A_287 = arith.mulf %mul3A, %mul3A_286 : vector<782x128xf32>
    %get3A_288 = arith.constant 14 : index
    %get3A_289 = memref.load %arg4[%get3A_288] : memref<16xf32, #tpu.memory_space<smem>>
    %add3A_290 = vector.broadcast %get3A_289 : f32 to vector<782x128xf32>
    %add3A_291 = arith.addf %mul3A_287, %add3A_290 : vector<782x128xf32>
    %max3A_292 = arith.constant 0.000000e+00 : f32
    %max3A_293 = vector.broadcast %max3A_292 : f32 to vector<782x128xf32>
    %max3A_294 = arith.maximumf %add3A_291, %max3A_293 : vector<782x128xf32>
    %mul3A_295 = arith.mulf %mul3A_32, %max3A_294 : vector<782x128xf32>
    %reduce_sum3A_296 = vector.shape_cast %mul3A_295 : vector<782x128xf32> to vector<1x782x128xf32>
    %reduce_sum3A_297 = arith.constant dense<0.000000e+00> : vector<1xf32>
    %reduce_sum3A_298 = vector.multi_reduction <add>, %reduce_sum3A_296, %reduce_sum3A_297 [1, 2] : vector<1x782x128xf32> to vector<1xf32>
    %reduce_sum3A_299 = vector.shape_cast %reduce_sum3A_298 : vector<1xf32> to vector<1x1x1xf32>
    %reduce_sum3A_300 = vector.extract %reduce_sum3A_299[0, 0, 0] : f32 from vector<1x1x1xf32>
    %get3A_301 = arith.constant 0 : index
    %get3A_302 = arith.constant 15 : index
    %get3A_303 = memref.load %arg3[%get3A_301, %get3A_302] : memref<1x16xf32, #tpu.memory_space<smem>>
    %mul3A_304 = vector.broadcast %get3A_303 : f32 to vector<782x128xf32>
    %mul3A_305 = arith.mulf %mul3A, %mul3A_304 : vector<782x128xf32>
    %get3A_306 = arith.constant 15 : index
    %get3A_307 = memref.load %arg4[%get3A_306] : memref<16xf32, #tpu.memory_space<smem>>
    %add3A_308 = vector.broadcast %get3A_307 : f32 to vector<782x128xf32>
    %add3A_309 = arith.addf %mul3A_305, %add3A_308 : vector<782x128xf32>
    %max3A_310 = arith.constant 0.000000e+00 : f32
    %max3A_311 = vector.broadcast %max3A_310 : f32 to vector<782x128xf32>
    %max3A_312 = arith.maximumf %add3A_309, %max3A_311 : vector<782x128xf32>
    %mul3A_313 = arith.mulf %mul3A_32, %max3A_312 : vector<782x128xf32>
    %reduce_sum3A_314 = vector.shape_cast %mul3A_313 : vector<782x128xf32> to vector<1x782x128xf32>
    %reduce_sum3A_315 = arith.constant dense<0.000000e+00> : vector<1xf32>
    %reduce_sum3A_316 = vector.multi_reduction <add>, %reduce_sum3A_314, %reduce_sum3A_315 [1, 2] : vector<1x782x128xf32> to vector<1xf32>
    %reduce_sum3A_317 = vector.shape_cast %reduce_sum3A_316 : vector<1xf32> to vector<1x1x1xf32>
    %reduce_sum3A_318 = vector.extract %reduce_sum3A_317[0, 0, 0] : f32 from vector<1x1x1xf32>
    %get3A_319 = arith.constant 0 : index
    %get3A_320 = arith.constant 0 : index
    %get3A_321 = memref.load %arg5[%get3A_319, %get3A_320] : memref<16x2xf32, #tpu.memory_space<smem>>
    %mul3A_322 = arith.mulf %reduce_sum3A_48, %get3A_321 : f32
    %add3A_323 = arith.constant 0.000000e+00 : f32
    %add3A_324 = arith.addf %add3A_323, %mul3A_322 : f32
    %get3A_325 = arith.constant 1 : index
    %get3A_326 = arith.constant 0 : index
    %get3A_327 = memref.load %arg5[%get3A_325, %get3A_326] : memref<16x2xf32, #tpu.memory_space<smem>>
    %mul3A_328 = arith.mulf %reduce_sum3A_66, %get3A_327 : f32
    %add3A_329 = arith.addf %add3A_324, %mul3A_328 : f32
    %get3A_330 = arith.constant 2 : index
    %get3A_331 = arith.constant 0 : index
    %get3A_332 = memref.load %arg5[%get3A_330, %get3A_331] : memref<16x2xf32, #tpu.memory_space<smem>>
    %mul3A_333 = arith.mulf %reduce_sum3A_84, %get3A_332 : f32
    %add3A_334 = arith.addf %add3A_329, %mul3A_333 : f32
    %get3A_335 = arith.constant 3 : index
    %get3A_336 = arith.constant 0 : index
    %get3A_337 = memref.load %arg5[%get3A_335, %get3A_336] : memref<16x2xf32, #tpu.memory_space<smem>>
    %mul3A_338 = arith.mulf %reduce_sum3A_102, %get3A_337 : f32
    %add3A_339 = arith.addf %add3A_334, %mul3A_338 : f32
    %get3A_340 = arith.constant 4 : index
    %get3A_341 = arith.constant 0 : index
    %get3A_342 = memref.load %arg5[%get3A_340, %get3A_341] : memref<16x2xf32, #tpu.memory_space<smem>>
    %mul3A_343 = arith.mulf %reduce_sum3A_120, %get3A_342 : f32
    %add3A_344 = arith.addf %add3A_339, %mul3A_343 : f32
    %get3A_345 = arith.constant 5 : index
    %get3A_346 = arith.constant 0 : index
    %get3A_347 = memref.load %arg5[%get3A_345, %get3A_346] : memref<16x2xf32, #tpu.memory_space<smem>>
    %mul3A_348 = arith.mulf %reduce_sum3A_138, %get3A_347 : f32
    %add3A_349 = arith.addf %add3A_344, %mul3A_348 : f32
    %get3A_350 = arith.constant 6 : index
    %get3A_351 = arith.constant 0 : index
    %get3A_352 = memref.load %arg5[%get3A_350, %get3A_351] : memref<16x2xf32, #tpu.memory_space<smem>>
    %mul3A_353 = arith.mulf %reduce_sum3A_156, %get3A_352 : f32
    %add3A_354 = arith.addf %add3A_349, %mul3A_353 : f32
    %get3A_355 = arith.constant 7 : index
    %get3A_356 = arith.constant 0 : index
    %get3A_357 = memref.load %arg5[%get3A_355, %get3A_356] : memref<16x2xf32, #tpu.memory_space<smem>>
    %mul3A_358 = arith.mulf %reduce_sum3A_174, %get3A_357 : f32
    %add3A_359 = arith.addf %add3A_354, %mul3A_358 : f32
    %get3A_360 = arith.constant 8 : index
    %get3A_361 = arith.constant 0 : index
    %get3A_362 = memref.load %arg5[%get3A_360, %get3A_361] : memref<16x2xf32, #tpu.memory_space<smem>>
    %mul3A_363 = arith.mulf %reduce_sum3A_192, %get3A_362 : f32
    %add3A_364 = arith.addf %add3A_359, %mul3A_363 : f32
    %get3A_365 = arith.constant 9 : index
    %get3A_366 = arith.constant 0 : index
    %get3A_367 = memref.load %arg5[%get3A_365, %get3A_366] : memref<16x2xf32, #tpu.memory_space<smem>>
    %mul3A_368 = arith.mulf %reduce_sum3A_210, %get3A_367 : f32
    %add3A_369 = arith.addf %add3A_364, %mul3A_368 : f32
    %get3A_370 = arith.constant 10 : index
    %get3A_371 = arith.constant 0 : index
    %get3A_372 = memref.load %arg5[%get3A_370, %get3A_371] : memref<16x2xf32, #tpu.memory_space<smem>>
    %mul3A_373 = arith.mulf %reduce_sum3A_228, %get3A_372 : f32
    %add3A_374 = arith.addf %add3A_369, %mul3A_373 : f32
    %get3A_375 = arith.constant 11 : index
    %get3A_376 = arith.constant 0 : index
    %get3A_377 = memref.load %arg5[%get3A_375, %get3A_376] : memref<16x2xf32, #tpu.memory_space<smem>>
    %mul3A_378 = arith.mulf %reduce_sum3A_246, %get3A_377 : f32
    %add3A_379 = arith.addf %add3A_374, %mul3A_378 : f32
    %get3A_380 = arith.constant 12 : index
    %get3A_381 = arith.constant 0 : index
    %get3A_382 = memref.load %arg5[%get3A_380, %get3A_381] : memref<16x2xf32, #tpu.memory_space<smem>>
    %mul3A_383 = arith.mulf %reduce_sum3A_264, %get3A_382 : f32
    %add3A_384 = arith.addf %add3A_379, %mul3A_383 : f32
    %get3A_385 = arith.constant 13 : index
    %get3A_386 = arith.constant 0 : index
    %get3A_387 = memref.load %arg5[%get3A_385, %get3A_386] : memref<16x2xf32, #tpu.memory_space<smem>>
    %mul3A_388 = arith.mulf %reduce_sum3A_282, %get3A_387 : f32
    %add3A_389 = arith.addf %add3A_384, %mul3A_388 : f32
    %get3A_390 = arith.constant 14 : index
    %get3A_391 = arith.constant 0 : index
    %get3A_392 = memref.load %arg5[%get3A_390, %get3A_391] : memref<16x2xf32, #tpu.memory_space<smem>>
    %mul3A_393 = arith.mulf %reduce_sum3A_300, %get3A_392 : f32
    %add3A_394 = arith.addf %add3A_389, %mul3A_393 : f32
    %get3A_395 = arith.constant 15 : index
    %get3A_396 = arith.constant 0 : index
    %get3A_397 = memref.load %arg5[%get3A_395, %get3A_396] : memref<16x2xf32, #tpu.memory_space<smem>>
    %mul3A_398 = arith.mulf %reduce_sum3A_318, %get3A_397 : f32
    %add3A_399 = arith.addf %add3A_394, %mul3A_398 : f32
    %get3A_400 = arith.constant 0 : index
    %get3A_401 = memref.load %arg6[%get3A_400] : memref<2xf32, #tpu.memory_space<smem>>
    %mul3A_402 = arith.constant 1.000000e+05 : f32
    %mul3A_403 = arith.mulf %mul3A_402, %get3A_401 : f32
    %add3A_404 = arith.addf %add3A_399, %mul3A_403 : f32
    %get3A_405 = arith.constant 0 : index
    %get3A_406 = arith.constant 1 : index
    %get3A_407 = memref.load %arg5[%get3A_405, %get3A_406] : memref<16x2xf32, #tpu.memory_space<smem>>
    %mul3A_408 = arith.mulf %reduce_sum3A_48, %get3A_407 : f32
    %add3A_409 = arith.constant 0.000000e+00 : f32
    %add3A_410 = arith.addf %add3A_409, %mul3A_408 : f32
    %get3A_411 = arith.constant 1 : index
    %get3A_412 = arith.constant 1 : index
    %get3A_413 = memref.load %arg5[%get3A_411, %get3A_412] : memref<16x2xf32, #tpu.memory_space<smem>>
    %mul3A_414 = arith.mulf %reduce_sum3A_66, %get3A_413 : f32
    %add3A_415 = arith.addf %add3A_410, %mul3A_414 : f32
    %get3A_416 = arith.constant 2 : index
    %get3A_417 = arith.constant 1 : index
    %get3A_418 = memref.load %arg5[%get3A_416, %get3A_417] : memref<16x2xf32, #tpu.memory_space<smem>>
    %mul3A_419 = arith.mulf %reduce_sum3A_84, %get3A_418 : f32
    %add3A_420 = arith.addf %add3A_415, %mul3A_419 : f32
    %get3A_421 = arith.constant 3 : index
    %get3A_422 = arith.constant 1 : index
    %get3A_423 = memref.load %arg5[%get3A_421, %get3A_422] : memref<16x2xf32, #tpu.memory_space<smem>>
    %mul3A_424 = arith.mulf %reduce_sum3A_102, %get3A_423 : f32
    %add3A_425 = arith.addf %add3A_420, %mul3A_424 : f32
    %get3A_426 = arith.constant 4 : index
    %get3A_427 = arith.constant 1 : index
    %get3A_428 = memref.load %arg5[%get3A_426, %get3A_427] : memref<16x2xf32, #tpu.memory_space<smem>>
    %mul3A_429 = arith.mulf %reduce_sum3A_120, %get3A_428 : f32
    %add3A_430 = arith.addf %add3A_425, %mul3A_429 : f32
    %get3A_431 = arith.constant 5 : index
    %get3A_432 = arith.constant 1 : index
    %get3A_433 = memref.load %arg5[%get3A_431, %get3A_432] : memref<16x2xf32, #tpu.memory_space<smem>>
    %mul3A_434 = arith.mulf %reduce_sum3A_138, %get3A_433 : f32
    %add3A_435 = arith.addf %add3A_430, %mul3A_434 : f32
    %get3A_436 = arith.constant 6 : index
    %get3A_437 = arith.constant 1 : index
    %get3A_438 = memref.load %arg5[%get3A_436, %get3A_437] : memref<16x2xf32, #tpu.memory_space<smem>>
    %mul3A_439 = arith.mulf %reduce_sum3A_156, %get3A_438 : f32
    %add3A_440 = arith.addf %add3A_435, %mul3A_439 : f32
    %get3A_441 = arith.constant 7 : index
    %get3A_442 = arith.constant 1 : index
    %get3A_443 = memref.load %arg5[%get3A_441, %get3A_442] : memref<16x2xf32, #tpu.memory_space<smem>>
    %mul3A_444 = arith.mulf %reduce_sum3A_174, %get3A_443 : f32
    %add3A_445 = arith.addf %add3A_440, %mul3A_444 : f32
    %get3A_446 = arith.constant 8 : index
    %get3A_447 = arith.constant 1 : index
    %get3A_448 = memref.load %arg5[%get3A_446, %get3A_447] : memref<16x2xf32, #tpu.memory_space<smem>>
    %mul3A_449 = arith.mulf %reduce_sum3A_192, %get3A_448 : f32
    %add3A_450 = arith.addf %add3A_445, %mul3A_449 : f32
    %get3A_451 = arith.constant 9 : index
    %get3A_452 = arith.constant 1 : index
    %get3A_453 = memref.load %arg5[%get3A_451, %get3A_452] : memref<16x2xf32, #tpu.memory_space<smem>>
    %mul3A_454 = arith.mulf %reduce_sum3A_210, %get3A_453 : f32
    %add3A_455 = arith.addf %add3A_450, %mul3A_454 : f32
    %get3A_456 = arith.constant 10 : index
    %get3A_457 = arith.constant 1 : index
    %get3A_458 = memref.load %arg5[%get3A_456, %get3A_457] : memref<16x2xf32, #tpu.memory_space<smem>>
    %mul3A_459 = arith.mulf %reduce_sum3A_228, %get3A_458 : f32
    %add3A_460 = arith.addf %add3A_455, %mul3A_459 : f32
    %get3A_461 = arith.constant 11 : index
    %get3A_462 = arith.constant 1 : index
    %get3A_463 = memref.load %arg5[%get3A_461, %get3A_462] : memref<16x2xf32, #tpu.memory_space<smem>>
    %mul3A_464 = arith.mulf %reduce_sum3A_246, %get3A_463 : f32
    %add3A_465 = arith.addf %add3A_460, %mul3A_464 : f32
    %get3A_466 = arith.constant 12 : index
    %get3A_467 = arith.constant 1 : index
    %get3A_468 = memref.load %arg5[%get3A_466, %get3A_467] : memref<16x2xf32, #tpu.memory_space<smem>>
    %mul3A_469 = arith.mulf %reduce_sum3A_264, %get3A_468 : f32
    %add3A_470 = arith.addf %add3A_465, %mul3A_469 : f32
    %get3A_471 = arith.constant 13 : index
    %get3A_472 = arith.constant 1 : index
    %get3A_473 = memref.load %arg5[%get3A_471, %get3A_472] : memref<16x2xf32, #tpu.memory_space<smem>>
    %mul3A_474 = arith.mulf %reduce_sum3A_282, %get3A_473 : f32
    %add3A_475 = arith.addf %add3A_470, %mul3A_474 : f32
    %get3A_476 = arith.constant 14 : index
    %get3A_477 = arith.constant 1 : index
    %get3A_478 = memref.load %arg5[%get3A_476, %get3A_477] : memref<16x2xf32, #tpu.memory_space<smem>>
    %mul3A_479 = arith.mulf %reduce_sum3A_300, %get3A_478 : f32
    %add3A_480 = arith.addf %add3A_475, %mul3A_479 : f32
    %get3A_481 = arith.constant 15 : index
    %get3A_482 = arith.constant 1 : index
    %get3A_483 = memref.load %arg5[%get3A_481, %get3A_482] : memref<16x2xf32, #tpu.memory_space<smem>>
    %mul3A_484 = arith.mulf %reduce_sum3A_318, %get3A_483 : f32
    %add3A_485 = arith.addf %add3A_480, %mul3A_484 : f32
    %get3A_486 = arith.constant 1 : index
    %get3A_487 = memref.load %arg6[%get3A_486] : memref<2xf32, #tpu.memory_space<smem>>
    %mul3A_488 = arith.constant 1.000000e+05 : f32
    %mul3A_489 = arith.mulf %mul3A_488, %get3A_487 : f32
    %add3A_490 = arith.addf %add3A_485, %mul3A_489 : f32
    %max3A_491 = arith.maximumf %add3A_404, %add3A_490 : f32
    %sub3A = arith.subf %add3A_404, %max3A_491 : f32
    %exp3A = math.exp %sub3A : f32
    %sub3A_492 = arith.subf %add3A_490, %max3A_491 : f32
    %exp3A_493 = math.exp %sub3A_492 : f32
    %add3A_494 = arith.addf %exp3A, %exp3A_493 : f32
    %div3A = arith.constant 1.000000e+00 : f32
    %div3A_495 = arith.divf %div3A, %add3A_494 : f32
    %iota3A = tpu.iota {dimensions = array<i32: 1>} : vector<1x2xi32>
    %eq3A = arith.constant 0 : i32
    %eq3A_496 = vector.broadcast %eq3A : i32 to vector<1x2xi32>
    %eq3A_497 = arith.cmpi eq, %iota3A, %eq3A_496 : vector<1x2xi32>
    %mul3A_498 = arith.mulf %exp3A, %div3A_495 : f32
    %jit3A = arith.constant 0.000000e+00 : f32
    %broadcast_in_dim3A = vector.broadcast %mul3A_498 : f32 to vector<1x2xf32>
    %broadcast_in_dim3A_499 = vector.broadcast %jit3A : f32 to vector<1x2xf32>
    %select_n3A = arith.select %eq3A_497, %broadcast_in_dim3A, %broadcast_in_dim3A_499 : vector<1x2xi1>, vector<1x2xf32>
    %eq3A_500 = arith.constant 1 : i32
    %eq3A_501 = vector.broadcast %eq3A_500 : i32 to vector<1x2xi32>
    %eq3A_502 = arith.cmpi eq, %iota3A, %eq3A_501 : vector<1x2xi32>
    %mul3A_503 = arith.mulf %exp3A_493, %div3A_495 : f32
    %broadcast_in_dim3A_504 = vector.broadcast %mul3A_503 : f32 to vector<1x2xf32>
    %select_n3A_505 = arith.select %eq3A_502, %broadcast_in_dim3A_504, %select_n3A : vector<1x2xi1>, vector<1x2xf32>
    %swap3A = arith.constant 0 : index
    %swap3A_506 = arith.constant 0 : index
    %swap3A_507 = vector.load %arg7[%swap3A, %swap3A_506] : memref<1x2xf32, #tpu.memory_space<vmem>>, vector<1x2xf32>
    tpu.vector_store %arg7[%swap3A, %swap3A_506], %select_n3A_505 {strides = array<i32>} : memref<1x2xf32, #tpu.memory_space<vmem>>, vector<1x2xf32>,
    return
  }
}

</mosaic_0001>

<sc_bundles>
// kernel: kernel.6.cloned.1.call-start
scs
__scs_entry_jumppad:
0x0: {  	(pc) =	sbr.rel $0x88, $3  }
0x1: {  	(tag) =	ssettag $0x0;
	lr =	simm.s32 $0x1  }
0x2: {  	[smem:$0x3F9A] =	sst lr;
	_ =	strace $0xD0000000  }
0x3: {  	_ = 	snop  }
0x4: {  	_ = 	snop  }
0x5: {  	_ = 	snop  }
0x6: {  	_ = 	snop  }
0x7: {  	_ = 	snop  }
__scs_overlays_trampoline_lowered:
0x8: {  	[smem:$0x3FA9] =	sst s0  }
0x9: {  	[smem:$0x3FAA] =	sst s1  }
0xa: {  	[smem:$0x3FAB] =	sst s2  }
0xb: {  	[smem:$0x3FAC] =	sst s3  }
0xc: {  	[smem:$0x3FAD] =	sst s4  }
0xd: {  	[smem:$0x3FAE] =	sst s5  }
0xe: {  	[smem:$0x3FAF] =	sst s6  }
0xf: {  	[smem:$0x3FB0] =	sst s7  }
0x10: {  	[smem:$0x3FB1] =	sst s8  }
0x11: {  	[smem:$0x3FB2] =	sst s9;
	s0 =	simm.s32 @!p0 $0x0  }
0x12: {  	s1 =	sld [smem:$0x3F98];
	s0 =	simm.s32 @p0 $0x1  }
0x13: {  	[smem:$0x3FB3] =	sst s0;
	s0 =	simm.s32 @!p1 $0x0  }
0x14: {  	s2 =	sld [smem:$0x3F97];
	s0 =	simm.s32 @p1 $0x1  }
0x15: {  	[smem:$0x3FB4] =	sst s0;
	s0 =	simm.s32 @!p2 $0x0  }
0x16: {  	s3 =	sld [smem:$0x3FDB];
	s0 =	simm.s32 @p2 $0x1  }
0x17: {  	s4 =	simm.s32 $0x1BF5;
	[smem:$0x3FB6] =	sst s0  }
0x18: {  	s0 =	sld [smem:$0x3F99];
	_ =	swait.ge [sflag:s4], $0x0  }
0x19: {  	s7 =	sld [smem:$0x3F9A]  }
0x1a: {  	s8 =	sadd.s32 $0xFFFFE003, lr  }
0x1b: {  	s9 =	sadd.s32 $0xFFFFFEF7, lr;
	s5 =	simm.s32 $0xFFFFFFFF;
	p2 =	slt.u32 s8, $0xFFFFF086  }
0x1c: {  	p1 =	slt.u32 s9, $0xF7A;
	s5 =	simm.s32 @!p2 $0x0  }
0x1d: {  	s5 =	simm.s32 @p1 $0x1;
	p0 =	seq.s32 s7, s2  }
0x1e: {  	s7 =	smul.u32 @!p0 $0xF7A, s2;
	p2 =	seq.s32 @!p0 s5, $0x0  }
0x1f: {  	s9 =	smul.u32 $0xF7A, s1;
	s8 =	simm.s32 @!p0 $0x1BF5;
	p2 =	por !p2, p0  }
0x20: {  	[sflag:s8] =	ssyncset.s32 @!p0 $0xFFFFF086;
	s6 =	sadd.s32 @!p0 s3, s7;
	s7 =	simm.s32 @!p0 $0x108  }
0x21: {  	s3 =	sadd.s32 s3, s9;
	s6 =	sadd.s32 @!p0 $0x88, s6;
	s7 =	simm.s32 @p2 $0x1082  }
0x22: {  	[simem:s7], [sflag:s8] =	dma.local @!p0 [hbm:s6], $0xF7A  }
0x23: {  	s9 =	sor.u32 $0xD0000000, s2;
	s6 =	simm.s32 $0x108;
	_ =	swait.ge @!p0 [sflag:s8], $0x0  }
0x24: {  	s3 =	sadd.s32 $0x88, s3;
	s6 =	simm.s32 @!p1 $0x1082;
	[sflag:s4] =	ssyncset.s32 $0xFFFFF086  }
0x25: {  	[simem:s6], [sflag:s4] =	dma.local [hbm:s3], $0xF7A  }
0x26: {  	[smem:$0x3F9A] =	sst s1;
	(tag) =	ssettag s2;
	_ =	strace s9  }
0x27: {  	s1 =	sld [smem:$0x3FAA]  }
0x28: {  	s2 =	sld [smem:$0x3FAB]  }
0x29: {  	s4 =	sld [smem:$0x3FAD]  }
0x2a: {  	p0 =	seq.s32 s5, $0x0;
	s5 =	sld [smem:$0x3FAE]  }
0x2b: {  	s6 =	sld [smem:$0x3FAF]  }
0x2c: {  	s7 =	sld [smem:$0x3FB0]  }
0x2d: {  	s3 =	simm.s32 $0x108;
	s8 =	sld [smem:$0x3FB1]  }
0x2e: {  	s3 =	simm.s32 @!p0 $0x1082;
	s9 =	sld [smem:$0x3FB2]  }
0x2f: {  	lr =	sadd.s32 s0, s3;
	s0 =	sld [smem:$0x3FA9]  }
0x30: {  	s3 =	sld [smem:$0x3FAC]  }
0x31: {  	[smem:$0x3FB5] =	sst s10  }
0x32: {  	s10 =	sld [smem:$0x3FB3];
	_ =	sdelay $0x3  }
0x33: {  	p0 =	seq.s32 s10, $0x1;
	s10 =	sld [smem:$0x3FB5];
	_ =	sdelay $0x3  }
0x34: {  	[smem:$0x3FB5] =	sst s10  }
0x35: {  	s10 =	sld [smem:$0x3FB4];
	_ =	sdelay $0x3  }
0x36: {  	p1 =	seq.s32 s10, $0x1;
	s10 =	sld [smem:$0x3FB5];
	_ =	sdelay $0x3  }
0x37: {  	[smem:$0x3FB5] =	sst s10  }
0x38: {  	s10 =	sld [smem:$0x3FB6]  }
0x39: {  	_ = 	snop;
	(pc) =	sbr.ind lr, $3  }
0x3a: {  	_ = 	snop  }
0x3b: {  	_ = 	snop  }
0x3c: {  	p2 =	seq.s32 s10, $0x1;
	s10 =	sld [smem:$0x3FB5]  }
0x3d: {  	_ =	shalt  }
0x3e: {  	_ =	shalt  }
0x3f: {  	_ =	shalt  }
0x40: {  	_ =	shalt  }
0x41: {  	_ =	shalt  }
0x42: {  	_ =	shalt  }
0x43: {  	_ =	shalt  }
0x44: {  	_ =	shalt  }
0x45: {  	_ =	shalt  }
0x46: {  	_ =	shalt  }
0x47: {  	_ =	shalt  }
0x48: {  	_ =	shalt  }
0x49: {  	_ =	shalt  }
0x4a: {  	_ =	shalt  }
0x4b: {  	_ =	shalt  }
0x4c: {  	_ =	shalt  }
0x4d: {  	_ =	shalt  }
0x4e: {  	_ =	shalt  }
0x4f: {  	_ =	shalt  }
0x50: {  	_ =	shalt  }
0x51: {  	_ =	shalt  }
0x52: {  	_ =	shalt  }
0x53: {  	_ =	shalt  }
0x54: {  	_ =	shalt  }
0x55: {  	_ =	shalt  }
0x56: {  	_ =	shalt  }
0x57: {  	_ =	shalt  }
0x58: {  	_ =	shalt  }
0x59: {  	_ =	shalt  }
0x5a: {  	_ =	shalt  }
0x5b: {  	_ =	shalt  }
0x5c: {  	_ =	shalt  }
0x5d: {  	_ =	shalt  }
0x5e: {  	_ =	shalt  }
0x5f: {  	_ =	shalt  }
0x60: {  	_ =	shalt  }
0x61: {  	_ =	shalt  }
0x62: {  	_ =	shalt  }
0x63: {  	_ =	shalt  }
0x64: {  	_ =	shalt  }
0x65: {  	_ =	shalt  }
0x66: {  	_ =	shalt  }
0x67: {  	_ =	shalt  }
0x68: {  	_ =	shalt  }
0x69: {  	_ =	shalt  }
0x6a: {  	_ =	shalt  }
0x6b: {  	_ =	shalt  }
0x6c: {  	_ =	shalt  }
0x6d: {  	_ =	shalt  }
0x6e: {  	_ =	shalt  }
0x6f: {  	_ =	shalt  }
0x70: {  	_ =	shalt  }
0x71: {  	_ =	shalt  }
0x72: {  	_ =	shalt  }
0x73: {  	_ =	shalt  }
0x74: {  	_ =	shalt  }
0x75: {  	_ =	shalt  }
0x76: {  	_ =	shalt  }
0x77: {  	_ =	shalt  }
0x78: {  	_ =	shalt  }
0x79: {  	_ =	shalt  }
0x7a: {  	_ =	shalt  }
0x7b: {  	_ =	shalt  }
0x7c: {  	_ =	shalt  }
0x7d: {  	_ =	shalt  }
0x7e: {  	_ =	shalt  }
0x7f: {  	_ =	shalt  }
0x80: {  	_ =	shalt  }
0x81: {  	_ =	shalt  }
0x82: {  	_ =	shalt  }
0x83: {  	_ =	shalt  }
0x84: {  	_ =	shalt  }
0x85: {  	_ =	shalt  }
0x86: {  	_ =	shalt  }
0x87: {  	_ =	shalt  }
.Lfunc_end0:
.L_simem_size_0:
called_computation_lowered:
.L_overlay_start_0:
0x88: {  	s2 =	sld [smem:$0x3FD9]  }
0x89: {  	s3 =	sld [smem:$0x3FFE];
	_ =	sdelay $0x1  }
0x8a: {  	s1 =	srdreg.scid  }
0x8b: {  	s0 =	sand.u32 $0x1, s1  }
0x8c: {  	s17 =	sshll.u32 s0, $0xA;
	s2 =	sadd.s32 s3, s2  }
0x8d: {  	s2 =	sadd.s32 s2, s17  }
0x8e: {  	[smem:$0x3FC1] =	sst s2  }
0x8f: {  	_ = 	snop  }
0x90: {  	s2 =	sld [smem:$0x3FC7];
	(tm) =	ssettm $0x1  }
0x91: {  	s18 =	sld [smem:$0x3FFB];
	_ =	sdelay $0x3  }
0x92: {  	_ =	strace s18  }
0x93: {  	s3 =	sld [smem:$0x3FFC];
	_ =	sdelay $0x3  }
0x94: {  	_ =	strace s3  }
0x95: {  	s3 =	sld [smem:$0x3FFD];
	_ =	sdelay $0x3  }
0x96: {  	_ =	strace s3  }
0x97: {  	_ =	strace $0x8FFFFFFF  }
0x98: {  	s19 =	sld [smem:$0x3FDB];
	_ =	sdelay $0x1  }
0x99: {  	s4 =	simm.s32 $_scs_section_size  }
0x9a: {  	s5 =	simm.s32 $_size__tile_overlayer_lowered;
	s6 =	simm.s32 $_tile_overlayer_lowered  }
0x9b: {  	s22 =	simm.s32 $0x1BFF;
	s21 =	sshll.u32 s6, $0x1;
	s3 =	sadd.s32 s4, s19  }
0x9c: {  	s7 =	simm.s32 $0x0;
	s20 =	sshll.u32 s5, $0x1;
	s5 =	sadd.s32 s21, s3  }
0x9d: {  	[timem:s7], [sflag:s22] =	dma.local [hbm:s5], s20  }
0x9e: {  	_ =	swait.ge [sflag:s22], s20  }
0x9f: {  	s4 =	ssub.s32 $0x0, s20;
	[sflag:s22] =	ssyncset.done $0x0  }
0xa0: {  	[sflag:s22] =	ssyncadd.s32 s4;
	_ =	sdelay $0x1  }
0xa1: {  	s23 =	simm.s32 $0x1B8B  }
0xa2: {  	_ =	swait.ge [sflag:s23], $0x1  }
0xa3: {  	[sflag:s23] =	ssyncset.done $0x0  }
0xa4: {  	s25 =	simm.s32 $0x1B8E;
	s24 =	sld [smem:$0x3FFE];
	[sflag:s23] =	ssyncadd.s32 $0xFFFFFFFF  }
0xa5: {  	s26 =	simm.s32 $execute0_lowered;
	[smem:$0x3FD2] =	sst s25  }
0xa6: {  	s5 =	sshll.u32 s26, $0x1;
	_ =	strace $0x80000046;
	[dreg:$0x1] =	wrdreg $0xFFFFFFFF  }
0xa7: {  	s28 =	simm.s32 $_size_execute0_lowered;
	s3 =	sadd.s32 s3, s5;
	[dreg:$0x0] =	wrdreg $0x0  }
0xa8: {  	s5 =	sshll.u32 s28, $0x1;
	[dreg:$0x2] =	wrdreg s3  }
0xa9: {  	[dreg:$0x3] =	wrdreg s5  }
0xaa: {  	[dreg:$0x4] =	wrdreg $0xC0  }
0xab: {  	_ =	task [dreg:s7], $0x5FFFF  }
0xac: {  	[dreg:$0x1] =	wrdreg $0xFFFFFFFF  }
0xad: {  	[dreg:$0x0] =	wrdreg $0x60  }
0xae: {  	[dreg:$0x2] =	wrdreg s24  }
0xaf: {  	[dreg:$0x3] =	wrdreg s2  }
0xb0: {  	[dreg:$0x4] =	wrdreg $0xE0800  }
0xb1: {  	[dreg:$0x5] =	wrdreg $0x9  }
0xb2: {  	_ =	task.clear_ibuf [dreg:s7], $0x6FFFF;
	_ =	strace $0x90000046  }
0xb3: {  	s29 =	simm.s32 $0x9;
	_ =	strace $0x80000048  }
0xb4: {  	_ =	swait.ge [sflag:s29], $0x1  }
0xb5: {  	[sflag:s29] =	ssyncadd.s32 $0xFFFFFFFF  }
0xb6: {  	_ =	strace $0x90000048  }
0xb7: {  	_ =	sfence  }
0xb8: {  	s30 =	sld [smem:$0x0];
	_ =	sdelay $0x2  }
0xb9: {  	s31 =	sshll.u32 s1, $0xD;
	s1 =	sshrl.u32 s1, $0x2  }
0xba: {  	s3 =	sand.u32 $0x4000, s31;
	s1 =	sadd.s32 s1, s30  }
0xbb: {  	s0 =	sor.u32 s3, s0;
	s1 =	sshll.u32 s1, $0x11  }
0xbc: {  	s0 =	sor.u32 s1, s0  }
0xbd: {  	s0 =	sadd.s32 $0x8F2B, s0  }
0xbe: {  	[sflag:s0] =	ssyncadd.remote.s32 $0x1  }
0xbf: {  	_ =	sfence.sel $0xFFFF  }
0xc0: {  	[dreg:$0x0] =	wrdreg $0xFFFFFFFF;
	(pc) =	sbr.abs _section_cstart, $3  }
0xc1: {  	[dreg:$0x1] =	wrdreg $0xFFFFFFFF  }
0xc2: {  	_ =	task.clear_ibuf [dreg:s7], $0x2FFFF;
	_ =	strace $0x9FFFFFFF  }
0xc3: {  	(tm) =	ssettm $0x7FFFFFFF  }
tec
execute0_lowered:
.L_overlay_start_1:
0x0: {  	(tag) =	ssettag $0x1  }
0x1: {  	s6 =	rddreg [dreg:$0x0]  }
0x2: {  	s1 =	srdreg.scid;
	s2 =	rddreg [dreg:$0x1]  }
0x3: {  	s0 =	stileid.u32;
	s3 =	rddreg [dreg:$0x2];
	s4 =	simm.s32 $0x0  }
0x4: {  	s7 =	sand.u32 $0x1, s1;
	s8 =	smul.u32 $0x1870, s0;
	s1 =	rddreg [dreg:$0x3]  }
0x5: {  	s14 =	simm.s32 $0x0;
	[smem:$0x7FF] =	sst s4;
	s13 =	smul.u32 $0x6400, s0  }
0x6: {  	s5 =	smul.u32 $0x18700, s7;
	_ =	strace $0x80000047;
	s10 =	ssub.s32 $0x2, s7  }
0x7: {  	s11 =	sshll.u32 s7, $0x4;
	s12 =	smul.u32 $0x64000, s7;
	s30 =	sshrl.u32 s10, $0x1  }
0x8: {  	s11 =	sor.u32 s11, s0;
	s5 =	sadd.s32 s8, s5;
	s10 =	ssub.s32 s10, s30  }
0x9: {  	s31 =	ssub.s32 $0x119, s11;
	s11 =	simm.s32 $0xC800;
	s9 =	sshrl.u32 s5, $0x3  }
0xa: {  	s5 =	sadd.s32 $0x1800, s6;
	s9 =	sadd.s32 s9, s6;
	s6 =	sadd.s32 s8, s3  }
0xb: {  	s8 =	smax.u32 s10, $0x1;
	s10 =	sadd.s32 s13, s12;
	s12 =	simm.s32 $0x1  }
0xc: {  	v0 =	vimm.f32 $0.0e+00;
	s13 =	simm.s32 $0x6400;
	s7 =	sadd.s32 $0x188400, s9;
	s9 =	sshrl.u32 s31, $0x5  }
.LBB2_1:
0xd: {  	s15 =	simm.s32 $0x40;
	s16 =	simm.s32 $0x0  }
.LBB2_2:
0xe: {  	p0 =	sne.s32 s15, $0x6180;
	[tilespmem:s16+$0xC800] =	vst v0;
	s16 =	smov.u32 s15;
	s15 =	sadd.s32 $0x40, s15  }
.Ltmp0:
0xf: {  	(pc) =	sbr.rel @p0 .LBB2_2-.Ltmp0, $2  }
0x10: {  	_ =	sdelay $0x2  }
0x11: {  	s16 =	sshra.s32 s16, $0x2  }
0x12: {  	[tilespmem:s16+$0xC800] =	vst v0;
	p1 =	sne.s32 s9, $0x1  }
0x13: {  	[spmem:s6] =	stream.linear.scatter [tilespmem:s11], [sflag:$0x1], $0x1870, $0x38;
	[tilespmem:$0xF8F0] =	vst v63  }
.Ltmp1:
0x14: {  	_ =	swait.ge [sflag:s12], $0x1870;
	(pc) =	sbr.rel @!p1 .LBB2_6-.Ltmp1, $4  }
0x15: {  	[sflag:s12] =	ssyncset.done $0x0  }
0x16: {  	[sflag:s12] =	ssyncadd.s32 $0xFFFFE790  }
0x17: {  	[bflag:$0x0] =	sbarrier.arrive $0xFFFF  }
0x18: {  	s16 =	sadd.s32 $0xFFFFFFFF, s9;
	s15 =	sshrl.u32 s10, $0x3;
	p0 =	por $0x0, $0x0  }
0x19: {  	s17 =	sadd.s32 s5, s15  }
0x1a: {  	[tilespmem:s4], [sflag:$0x1] =	stream.linear.gather [hbm4b:s17+s4], $0x6400, $0x38;
	[tilespmem:$0xF8F0] =	vst v63  }
0x1b: {  	_ =	swait.ge [sflag:s12], $0x6400  }
0x1c: {  	[sflag:s12] =	ssyncset.done $0x0  }
0x1d: {  	s31 =	sadd.s32 s2, s15;
	[sflag:s12] =	ssyncadd.s32 $0xFFFF9C00  }
0x1e: {  	[tilespmem:s13], [sflag:$0x1] =	stream.linear.gather [hbm4b:s31+s4], $0x6400, $0x38;
	[tilespmem:$0xF8F0] =	vst v63  }
0x1f: {  	p1 =	sne.s32 s16, $0x1;
	_ =	swait.ge [sflag:s12], $0x6400  }
.Ltmp2:
0x20: {  	[sflag:s12] =	ssyncset.done $0x0;
	(pc) =	sbr.rel @!p1 .LBB2_6-.Ltmp2, $4  }
0x21: {  	[sflag:s12] =	ssyncadd.s32 $0xFFFF9C00  }
0x22: {  	[spmem:s3] =	stream.indirect.scatter.add.f32 [tilespmem:s13], [sflag:$0x1], $0x1, s4, s13, $0xb8;
	[tilespmem:$0xF8F0] =	vst v63  }
0x23: {  	s16 =	sadd.s32 $0xFFFFFFFF, s16;
	s17 =	sadd.s32 $0xC8000, s10;
	_ =	swait.ge [sflag:s12], $0x6400  }
0x24: {  	p0 =	por $0x1, $0x1;
	s15 =	sshrl.u32 s17, $0x3;
	[sflag:s12] =	ssyncset.done $0x0  }
.LBB2_5:
0x25: {  	p1 =	sne.s32 s16, $0x1;
	s18 =	sadd.s32 s5, s15;
	[sflag:s12] =	ssyncadd.s32 $0xFFFF9C00  }
0x26: {  	[tilespmem:s4], [sflag:$0x1] =	stream.linear.gather [hbm4b:s18+s4], $0x6400, $0x38;
	[tilespmem:$0xF8F0] =	vst v63  }
0x27: {  	s16 =	sadd.s32 $0xFFFFFFFF, s16;
	_ =	swait.ge [sflag:s12], $0x6400  }
0x28: {  	[sflag:s12] =	ssyncset.done $0x0  }
0x29: {  	s15 =	sadd.s32 s2, s15;
	[sflag:s12] =	ssyncadd.s32 $0xFFFF9C00  }
0x2a: {  	[tilespmem:s13], [sflag:$0x1] =	stream.linear.gather [hbm4b:s15+s4], $0x6400, $0x38;
	[tilespmem:$0xF8F0] =	vst v63  }
0x2b: {  	_ =	swait.ge [sflag:s12], $0x6400  }
.Ltmp3:
0x2c: {  	[sflag:s12] =	ssyncset.done $0x0;
	(pc) =	sbr.rel @p1 .LBB2_5-.Ltmp3, $4  }
0x2d: {  	[sflag:s12] =	ssyncadd.s32 $0xFFFF9C00  }
0x2e: {  	[spmem:s3] =	stream.indirect.scatter.add.f32 [tilespmem:s13], [sflag:$0x1], $0x1, s4, s13, $0xb8;
	[tilespmem:$0xF8F0] =	vst v63  }
0x2f: {  	s17 =	sadd.s32 $0xC8000, s17;
	_ =	swait.ge [sflag:s12], $0x6400  }
0x30: {  	s15 =	sshrl.u32 s17, $0x3;
	[sflag:s12] =	ssyncset.done $0x0  }
.LBB2_6:
0x31: {  	s16 =	sadd.s32 s5, s15;
	[sflag:s12] =	ssyncadd.s32 @p0 $0xFFFF9C00  }
0x32: {  	[tilespmem:s4], [sflag:$0x1] =	stream.linear.gather [hbm4b:s16+s4], $0x6400, $0x38;
	[tilespmem:$0xF8F0] =	vst v63  }
0x33: {  	_ =	swait.ge [sflag:s12], $0x6400  }
0x34: {  	[sflag:s12] =	ssyncset.done $0x0  }
0x35: {  	s31 =	sadd.s32 s2, s15;
	[sflag:s12] =	ssyncadd.s32 $0xFFFF9C00  }
0x36: {  	[tilespmem:s13], [sflag:$0x1] =	stream.linear.gather [hbm4b:s31+s4], $0x6400, $0x38;
	[tilespmem:$0xF8F0] =	vst v63  }
0x37: {  	_ =	swait.ge [sflag:s12], $0x6400  }
0x38: {  	[sflag:s12] =	ssyncset.done $0x0  }
0x39: {  	[sflag:s12] =	ssyncadd.s32 $0xFFFF9C00  }
0x3a: {  	[spmem:s3] =	stream.indirect.scatter.add.f32 [tilespmem:s13], [sflag:$0x1], $0x1, s4, s13, $0xb8;
	[tilespmem:$0xF8F0] =	vst v63  }
0x3b: {  	_ =	swait.ge [sflag:s12], $0x6400  }
0x3c: {  	[sflag:s12] =	ssyncset.done $0x0  }
0x3d: {  	[sflag:s12] =	ssyncadd.s32 $0xFFFF9C00  }
0x3e: {  	[bflag:$0x0] =	sbarrier.arrive $0xFFFF  }
0x3f: {  	[tilespmem:s11], [sflag:$0x1] =	stream.linear.gather [spmem:s6], $0x1870, $0x38;
	[tilespmem:$0xF8F0] =	vst v63  }
0x40: {  	s14 =	sadd.s32 $0x1, s14;
	_ =	swait.ge [sflag:s12], $0x1870  }
0x41: {  	p0 =	sne.s32 s14, s8;
	[sflag:s12] =	ssyncset.done $0x0  }
.Ltmp4:
0x42: {  	[sflag:s12] =	ssyncadd.s32 $0xFFFFE790;
	(pc) =	sbr.rel @p0 .LBB2_1-.Ltmp4, $4  }
0x43: {  	[hbm4b:s7+s4] =	stream.linear.scatter [tilespmem:s11], [sflag:$0x1], $0x1870, $0x38;
	[tilespmem:$0xF8F0] =	vst v63  }
0x44: {  	_ =	swait.ge [sflag:s12], $0x1870  }
0x45: {  	[sflag:s12] =	ssyncset.done $0x0  }
0x46: {  	[sflag:s12] =	ssyncadd.s32 $0xFFFFE790  }
0x47: {  	_ =	sfence.sel $0x180000  }
0x48: {  	[bflag:$0x0] =	sbarrier.arrive $0xFFFF  }
0x49: {  	p0 =	sne.s32 s0, $0x0;
	_ =	strace $0x90000047  }
0x4a: {  	s0 =	sadd.s32 @!p0 $0x100000, s1;
	[bflag:$0x2] =	sbarrier.arrive $0xFFFF  }
0x4b: {  	[sflag:s0] =	ssyncadd.tile.s32 @!p0 $0x1;
	_ =	shalt  }
.Lfunc_end2:
_tile_overlayer_lowered:
.L_overlay_start_2:
0x4c: {  	(tag) =	ssettag $0x2  }
0x4d: {  	s0 =	rddreg [dreg:$0x0];
	s2 =	stileid.u32  }
0x4e: {  	s1 =	rddreg [dreg:$0x1];
	p0 =	sne.s32 s2, $0x0  }
0x4f: {  	s3 =	rddreg [dreg:$0x2];
	[bflag:$0x3] =	sbarrier.arrive $0xFFFF;
	s2 =	simm.s32 @!p0 $0x1C01  }
0x50: {  	[timem:s3], [sflag:s2] =	dma.local @!p0 [hbm:s0], s1  }
0x51: {  	s0 =	simm.s32 @!p0 $0x1  }
0x52: {  	_ =	swait.ge @!p0 [sflag:s0], s1  }
0x53: {  	s1 =	ssub.s32 @!p0 $0x0, s1;
	[sflag:s0] =	ssyncset.done @!p0 $0x0  }
0x54: {  	[sflag:s0] =	ssyncadd.s32 @!p0 s1  }
0x55: {  	[bflag:$0x3] =	sbarrier.arrive $0xFFFF  }
0x56: {  	_ =	shalt  }

// kernel: kernel.9.cloned.1.call-start
scs
__scs_entry_jumppad:
0x0: {  	(pc) =	sbr.rel $0x88, $3  }
0x1: {  	(tag) =	ssettag $0x0;
	lr =	simm.s32 $0x1  }
0x2: {  	[smem:$0x3F9A] =	sst lr;
	_ =	strace $0xD0000000  }
0x3: {  	_ = 	snop  }
0x4: {  	_ = 	snop  }
0x5: {  	_ = 	snop  }
0x6: {  	_ = 	snop  }
0x7: {  	_ = 	snop  }
__scs_overlays_trampoline_lowered:
0x8: {  	[smem:$0x3FA9] =	sst s0  }
0x9: {  	[smem:$0x3FAA] =	sst s1  }
0xa: {  	[smem:$0x3FAB] =	sst s2  }
0xb: {  	[smem:$0x3FAC] =	sst s3  }
0xc: {  	[smem:$0x3FAD] =	sst s4  }
0xd: {  	[smem:$0x3FAE] =	sst s5  }
0xe: {  	[smem:$0x3FAF] =	sst s6  }
0xf: {  	[smem:$0x3FB0] =	sst s7  }
0x10: {  	[smem:$0x3FB1] =	sst s8  }
0x11: {  	[smem:$0x3FB2] =	sst s9;
	s0 =	simm.s32 @!p0 $0x0  }
0x12: {  	s1 =	sld [smem:$0x3F98];
	s0 =	simm.s32 @p0 $0x1  }
0x13: {  	[smem:$0x3FB3] =	sst s0;
	s0 =	simm.s32 @!p1 $0x0  }
0x14: {  	s2 =	sld [smem:$0x3F97];
	s0 =	simm.s32 @p1 $0x1  }
0x15: {  	[smem:$0x3FB4] =	sst s0;
	s0 =	simm.s32 @!p2 $0x0  }
0x16: {  	s3 =	sld [smem:$0x3FDB];
	s0 =	simm.s32 @p2 $0x1  }
0x17: {  	s4 =	simm.s32 $0x1BF5;
	[smem:$0x3FB6] =	sst s0  }
0x18: {  	s0 =	sld [smem:$0x3F99];
	_ =	swait.ge [sflag:s4], $0x0  }
0x19: {  	s7 =	sld [smem:$0x3F9A]  }
0x1a: {  	s8 =	sadd.s32 $0xFFFFE003, lr  }
0x1b: {  	s9 =	sadd.s32 $0xFFFFFEF7, lr;
	s5 =	simm.s32 $0xFFFFFFFF;
	p2 =	slt.u32 s8, $0xFFFFF086  }
0x1c: {  	p1 =	slt.u32 s9, $0xF7A;
	s5 =	simm.s32 @!p2 $0x0  }
0x1d: {  	s5 =	simm.s32 @p1 $0x1;
	p0 =	seq.s32 s7, s2  }
0x1e: {  	s7 =	smul.u32 @!p0 $0xF7A, s2;
	p2 =	seq.s32 @!p0 s5, $0x0  }
0x1f: {  	s9 =	smul.u32 $0xF7A, s1;
	s8 =	simm.s32 @!p0 $0x1BF5;
	p2 =	por !p2, p0  }
0x20: {  	[sflag:s8] =	ssyncset.s32 @!p0 $0xFFFFF086;
	s6 =	sadd.s32 @!p0 s3, s7;
	s7 =	simm.s32 @!p0 $0x108  }
0x21: {  	s3 =	sadd.s32 s3, s9;
	s6 =	sadd.s32 @!p0 $0x88, s6;
	s7 =	simm.s32 @p2 $0x1082  }
0x22: {  	[simem:s7], [sflag:s8] =	dma.local @!p0 [hbm:s6], $0xF7A  }
0x23: {  	s9 =	sor.u32 $0xD0000000, s2;
	s6 =	simm.s32 $0x108;
	_ =	swait.ge @!p0 [sflag:s8], $0x0  }
0x24: {  	s3 =	sadd.s32 $0x88, s3;
	s6 =	simm.s32 @!p1 $0x1082;
	[sflag:s4] =	ssyncset.s32 $0xFFFFF086  }
0x25: {  	[simem:s6], [sflag:s4] =	dma.local [hbm:s3], $0xF7A  }
0x26: {  	[smem:$0x3F9A] =	sst s1;
	(tag) =	ssettag s2;
	_ =	strace s9  }
0x27: {  	s1 =	sld [smem:$0x3FAA]  }
0x28: {  	s2 =	sld [smem:$0x3FAB]  }
0x29: {  	s4 =	sld [smem:$0x3FAD]  }
0x2a: {  	p0 =	seq.s32 s5, $0x0;
	s5 =	sld [smem:$0x3FAE]  }
0x2b: {  	s6 =	sld [smem:$0x3FAF]  }
0x2c: {  	s7 =	sld [smem:$0x3FB0]  }
0x2d: {  	s3 =	simm.s32 $0x108;
	s8 =	sld [smem:$0x3FB1]  }
0x2e: {  	s3 =	simm.s32 @!p0 $0x1082;
	s9 =	sld [smem:$0x3FB2]  }
0x2f: {  	lr =	sadd.s32 s0, s3;
	s0 =	sld [smem:$0x3FA9]  }
0x30: {  	s3 =	sld [smem:$0x3FAC]  }
0x31: {  	[smem:$0x3FB5] =	sst s10  }
0x32: {  	s10 =	sld [smem:$0x3FB3];
	_ =	sdelay $0x3  }
0x33: {  	p0 =	seq.s32 s10, $0x1;
	s10 =	sld [smem:$0x3FB5];
	_ =	sdelay $0x3  }
0x34: {  	[smem:$0x3FB5] =	sst s10  }
0x35: {  	s10 =	sld [smem:$0x3FB4];
	_ =	sdelay $0x3  }
0x36: {  	p1 =	seq.s32 s10, $0x1;
	s10 =	sld [smem:$0x3FB5];
	_ =	sdelay $0x3  }
0x37: {  	[smem:$0x3FB5] =	sst s10  }
0x38: {  	s10 =	sld [smem:$0x3FB6]  }
0x39: {  	_ = 	snop;
	(pc) =	sbr.ind lr, $3  }
0x3a: {  	_ = 	snop  }
0x3b: {  	_ = 	snop  }
0x3c: {  	p2 =	seq.s32 s10, $0x1;
	s10 =	sld [smem:$0x3FB5]  }
0x3d: {  	_ =	shalt  }
0x3e: {  	_ =	shalt  }
0x3f: {  	_ =	shalt  }
0x40: {  	_ =	shalt  }
0x41: {  	_ =	shalt  }
0x42: {  	_ =	shalt  }
0x43: {  	_ =	shalt  }
0x44: {  	_ =	shalt  }
0x45: {  	_ =	shalt  }
0x46: {  	_ =	shalt  }
0x47: {  	_ =	shalt  }
0x48: {  	_ =	shalt  }
0x49: {  	_ =	shalt  }
0x4a: {  	_ =	shalt  }
0x4b: {  	_ =	shalt  }
0x4c: {  	_ =	shalt  }
0x4d: {  	_ =	shalt  }
0x4e: {  	_ =	shalt  }
0x4f: {  	_ =	shalt  }
0x50: {  	_ =	shalt  }
0x51: {  	_ =	shalt  }
0x52: {  	_ =	shalt  }
0x53: {  	_ =	shalt  }
0x54: {  	_ =	shalt  }
0x55: {  	_ =	shalt  }
0x56: {  	_ =	shalt  }
0x57: {  	_ =	shalt  }
0x58: {  	_ =	shalt  }
0x59: {  	_ =	shalt  }
0x5a: {  	_ =	shalt  }
0x5b: {  	_ =	shalt  }
0x5c: {  	_ =	shalt  }
0x5d: {  	_ =	shalt  }
0x5e: {  	_ =	shalt  }
0x5f: {  	_ =	shalt  }
0x60: {  	_ =	shalt  }
0x61: {  	_ =	shalt  }
0x62: {  	_ =	shalt  }
0x63: {  	_ =	shalt  }
0x64: {  	_ =	shalt  }
0x65: {  	_ =	shalt  }
0x66: {  	_ =	shalt  }
0x67: {  	_ =	shalt  }
0x68: {  	_ =	shalt  }
0x69: {  	_ =	shalt  }
0x6a: {  	_ =	shalt  }
0x6b: {  	_ =	shalt  }
0x6c: {  	_ =	shalt  }
0x6d: {  	_ =	shalt  }
0x6e: {  	_ =	shalt  }
0x6f: {  	_ =	shalt  }
0x70: {  	_ =	shalt  }
0x71: {  	_ =	shalt  }
0x72: {  	_ =	shalt  }
0x73: {  	_ =	shalt  }
0x74: {  	_ =	shalt  }
0x75: {  	_ =	shalt  }
0x76: {  	_ =	shalt  }
0x77: {  	_ =	shalt  }
0x78: {  	_ =	shalt  }
0x79: {  	_ =	shalt  }
0x7a: {  	_ =	shalt  }
0x7b: {  	_ =	shalt  }
0x7c: {  	_ =	shalt  }
0x7d: {  	_ =	shalt  }
0x7e: {  	_ =	shalt  }
0x7f: {  	_ =	shalt  }
0x80: {  	_ =	shalt  }
0x81: {  	_ =	shalt  }
0x82: {  	_ =	shalt  }
0x83: {  	_ =	shalt  }
0x84: {  	_ =	shalt  }
0x85: {  	_ =	shalt  }
0x86: {  	_ =	shalt  }
0x87: {  	_ =	shalt  }
.Lfunc_end0:
.L_simem_size_0:
called_computation.1_lowered:
.L_overlay_start_0:
0x88: {  	s2 =	sld [smem:$0x3FD9]  }
0x89: {  	s3 =	sld [smem:$0x3FFE];
	_ =	sdelay $0x1  }
0x8a: {  	s1 =	srdreg.scid  }
0x8b: {  	s0 =	sand.u32 $0x1, s1  }
0x8c: {  	s17 =	sshll.u32 s0, $0xA;
	s2 =	sadd.s32 s3, s2  }
0x8d: {  	s2 =	sadd.s32 s2, s17  }
0x8e: {  	[smem:$0x3FC1] =	sst s2  }
0x8f: {  	_ = 	snop  }
0x90: {  	s2 =	sld [smem:$0x3FC7];
	(tm) =	ssettm $0x1  }
0x91: {  	s18 =	sld [smem:$0x3FFB];
	_ =	sdelay $0x3  }
0x92: {  	_ =	strace s18  }
0x93: {  	s3 =	sld [smem:$0x3FFC];
	_ =	sdelay $0x3  }
0x94: {  	_ =	strace s3  }
0x95: {  	s3 =	sld [smem:$0x3FFD];
	_ =	sdelay $0x3  }
0x96: {  	_ =	strace s3  }
0x97: {  	_ =	strace $0x8FFFFFFF  }
0x98: {  	s19 =	sld [smem:$0x3FDB];
	_ =	sdelay $0x1  }
0x99: {  	s4 =	simm.s32 $_scs_section_size  }
0x9a: {  	s5 =	simm.s32 $_size__tile_overlayer_lowered;
	s6 =	simm.s32 $_tile_overlayer_lowered  }
0x9b: {  	s22 =	simm.s32 $0x1BFF;
	s21 =	sshll.u32 s6, $0x1;
	s3 =	sadd.s32 s4, s19  }
0x9c: {  	s7 =	simm.s32 $0x0;
	s20 =	sshll.u32 s5, $0x1;
	s5 =	sadd.s32 s21, s3  }
0x9d: {  	[timem:s7], [sflag:s22] =	dma.local [hbm:s5], s20  }
0x9e: {  	_ =	swait.ge [sflag:s22], s20  }
0x9f: {  	s4 =	ssub.s32 $0x0, s20;
	[sflag:s22] =	ssyncset.done $0x0  }
0xa0: {  	[sflag:s22] =	ssyncadd.s32 s4;
	_ =	sdelay $0x1  }
0xa1: {  	s23 =	simm.s32 $0x1B8B  }
0xa2: {  	_ =	swait.ge [sflag:s23], $0x1  }
0xa3: {  	[sflag:s23] =	ssyncset.done $0x0  }
0xa4: {  	s25 =	simm.s32 $0x1B8E;
	s24 =	sld [smem:$0x3FFE];
	[sflag:s23] =	ssyncadd.s32 $0xFFFFFFFF  }
0xa5: {  	s26 =	simm.s32 $execute0_lowered;
	[smem:$0x3FD2] =	sst s25  }
0xa6: {  	s5 =	sshll.u32 s26, $0x1;
	_ =	strace $0x80000049;
	[dreg:$0x1] =	wrdreg $0xFFFFFFFF  }
0xa7: {  	s28 =	simm.s32 $_size_execute0_lowered;
	s3 =	sadd.s32 s3, s5;
	[dreg:$0x0] =	wrdreg $0x0  }
0xa8: {  	s5 =	sshll.u32 s28, $0x1;
	[dreg:$0x2] =	wrdreg s3  }
0xa9: {  	[dreg:$0x3] =	wrdreg s5  }
0xaa: {  	[dreg:$0x4] =	wrdreg $0xC0  }
0xab: {  	_ =	task [dreg:s7], $0x5FFFF  }
0xac: {  	[dreg:$0x1] =	wrdreg $0xFFFFFFFF  }
0xad: {  	[dreg:$0x0] =	wrdreg $0x60  }
0xae: {  	[dreg:$0x2] =	wrdreg s24  }
0xaf: {  	[dreg:$0x3] =	wrdreg s2  }
0xb0: {  	[dreg:$0x4] =	wrdreg $0x1C5800  }
0xb1: {  	[dreg:$0x5] =	wrdreg $0x1DDF00  }
0xb2: {  	[dreg:$0x6] =	wrdreg $0x9  }
0xb3: {  	_ =	task.clear_ibuf [dreg:s7], $0x7FFFF;
	_ =	strace $0x90000049  }
0xb4: {  	s29 =	simm.s32 $0x9;
	_ =	strace $0x8000004B  }
0xb5: {  	_ =	swait.ge [sflag:s29], $0x1  }
0xb6: {  	[sflag:s29] =	ssyncadd.s32 $0xFFFFFFFF  }
0xb7: {  	_ =	strace $0x9000004B  }
0xb8: {  	_ =	sfence  }
0xb9: {  	s30 =	sld [smem:$0x0];
	_ =	sdelay $0x2  }
0xba: {  	s31 =	sshll.u32 s1, $0xD;
	s1 =	sshrl.u32 s1, $0x2  }
0xbb: {  	s3 =	sand.u32 $0x4000, s31;
	s1 =	sadd.s32 s1, s30  }
0xbc: {  	s0 =	sor.u32 s3, s0;
	s1 =	sshll.u32 s1, $0x11  }
0xbd: {  	s0 =	sor.u32 s1, s0  }
0xbe: {  	s0 =	sadd.s32 $0x8F2B, s0  }
0xbf: {  	[sflag:s0] =	ssyncadd.remote.s32 $0x1  }
0xc0: {  	_ =	sfence.sel $0xFFFF  }
0xc1: {  	[dreg:$0x0] =	wrdreg $0xFFFFFFFF;
	(pc) =	sbr.abs _section_cstart, $3  }
0xc2: {  	[dreg:$0x1] =	wrdreg $0xFFFFFFFF  }
0xc3: {  	_ =	task.clear_ibuf [dreg:s7], $0x2FFFF;
	_ =	strace $0x9FFFFFFF  }
0xc4: {  	(tm) =	ssettm $0x7FFFFFFF  }
0xc5: {  	_ =	shalt  }
tec
execute0_lowered:
.L_overlay_start_1:
0x0: {  	(tag) =	ssettag $0x1  }
0x1: {  	s0 =	rddreg [dreg:$0x0]  }
0x2: {  	s1 =	rddreg [dreg:$0x1]  }
0x3: {  	s2 =	rddreg [dreg:$0x2]  }
0x4: {  	s3 =	rddreg [dreg:$0x3]  }
0x5: {  	s4 =	simm.s32 $0x0;
	s5 =	srdreg.scid;
	s15 =	stileid.u32  }
0x6: {  	s28 =	simm.s32 $0x3;
	s29 =	simm.s32 $0x1E00;
	s30 =	simm.s32 $0x2800  }
0x7: {  	s31 =	simm.s32 $0x4;
	[smem:$0x7FF] =	sst s4;
	s6 =	sadd.s32 $0xC4E00, s0  }
0x8: {  	s7 =	sadd.s32 $0x1800, s0;
	s8 =	sadd.s32 $0x188400, s0;
	s9 =	smul.u32 $0x1870, s15  }
0x9: {  	s5 =	sand.u32 $0x1, s5;
	s13 =	sadd.s32 $0x18B600, s0;
	s0 =	sadd.s32 $0x191800, s0  }
0xa: {  	_ =	strace $0x8000004A;
	[dreg:$0x5] =	wrdreg s8;
	s19 =	ssub.s32 $0x2, s5  }
0xb: {  	s11 =	smul.u32 $0x18700, s5;
	s5 =	sshll.u32 s5, $0x4;
	s10 =	sshrl.u32 s19, $0x1  }
0xc: {  	s16 =	sadd.s32 s9, s2;
	s12 =	sadd.s32 $0xC38, s9;
	s17 =	sadd.s32 s9, s3  }
0xd: {  	s15 =	sor.u32 s5, s15;
	s5 =	simm.s32 $0x0;
	s8 =	ssub.s32 s19, s10  }
0xe: {  	s14 =	sadd.s32 s9, s11;
	s19 =	sadd.s32 s12, s2;
	s21 =	sadd.s32 s12, s3  }
0xf: {  	s25 =	ssub.s32 $0x9E3, s15;
	s20 =	sshrl.u32 s14, $0x3;
	[dreg:$0x6] =	wrdreg s21  }
0x10: {  	s14 =	sadd.s32 $0xC38, s14;
	s18 =	sshrl.u32 s25, $0x5;
	s26 =	smax.u32 s8, $0x1  }
0x11: {  	s21 =	simm.s32 $0x6;
	s25 =	simm.s32 $0x1;
	s22 =	sadd.s32 s13, s20  }
0x12: {  	s9 =	sadd.s32 s0, s20;
	s23 =	sshrl.u32 s14, $0x3;
	[dreg:$0xb] =	wrdreg s26  }
0x13: {  	s20 =	simm.s32 $0x3E80;
	s26 =	simm.s32 $0x2;
	[dreg:$0x7] =	wrdreg s22  }
0x14: {  	[dreg:$0x8] =	wrdreg s9;
	s24 =	sadd.s32 s13, s23;
	s0 =	sadd.s32 s0, s23  }
0x15: {  	s22 =	simm.s32 $0x3200;
	s23 =	simm.s32 $0xA00;
	[dreg:$0x9] =	wrdreg s24  }
0x16: {  	v0 =	vimm.f32 $0.0e+00;
	[dreg:$0xa] =	wrdreg s0;
	s24 =	simm.s32 $0x1400;
	s0 =	simm.s32 $0x5  }
.LBB2_1:
0x17: {  	s8 =	rddreg [dreg:$0x5]  }
0x18: {  	[tilespmem:s20], [sflag:$0x6] =	stream.linear.gather [hbm4b:s8+s4], $0x18700, $0x38;
	[tilespmem:$0x1F660] =	vst v63  }
0x19: {  	_ =	swait.ge [sflag:s21], $0x18700  }
0x1a: {  	[sflag:s21] =	ssyncset.done $0x0  }
0x1b: {  	s9 =	simm.s32 $0x0;
	s8 =	simm.s32 $0x40;
	[sflag:s21] =	ssyncadd.s32 $0xFFFE7900  }
.LBB2_2:
0x1c: {  	p0 =	sne.s32 s8, $0x3080;
	[tilespmem:s9+$0x3200] =	vst v0;
	s9 =	smov.u32 s8;
	s8 =	sadd.s32 $0x40, s8  }
.Ltmp0:
0x1d: {  	(pc) =	sbr.rel @p0 .LBB2_2-.Ltmp0, $2  }
0x1e: {  	_ =	sdelay $0x2  }
0x1f: {  	s9 =	sshra.s32 s9, $0x2  }
0x20: {  	[tilespmem:s9+$0x3200] =	vst v0  }
0x21: {  	[spmem:s16] =	stream.linear.scatter [tilespmem:s22], [sflag:$0x6], $0xC38, $0x38;
	[tilespmem:$0x1F660] =	vst v63  }
0x22: {  	_ =	swait.ge [sflag:s21], $0xC38  }
0x23: {  	[sflag:s21] =	ssyncset.done $0x0  }
0x24: {  	[sflag:s21] =	ssyncadd.s32 $0xFFFFF3C8  }
0x25: {  	[spmem:s17] =	stream.linear.scatter [tilespmem:s22], [sflag:$0x6], $0xC38, $0x38;
	[tilespmem:$0x1F660] =	vst v63  }
0x26: {  	_ =	swait.ge [sflag:s21], $0xC38  }
0x27: {  	[sflag:s21] =	ssyncset.done $0x0  }
0x28: {  	[sflag:s21] =	ssyncadd.s32 $0xFFFFF3C8  }
0x29: {  	[spmem:s19] =	stream.linear.scatter [tilespmem:s22], [sflag:$0x6], $0xC38, $0x38;
	[tilespmem:$0x1F660] =	vst v63  }
0x2a: {  	_ =	swait.ge [sflag:s21], $0xC38  }
0x2b: {  	[sflag:s21] =	ssyncset.done $0x0  }
0x2c: {  	s8 =	rddreg [dreg:$0x6];
	[sflag:s21] =	ssyncadd.s32 $0xFFFFF3C8  }
0x2d: {  	[spmem:s8] =	stream.linear.scatter [tilespmem:s22], [sflag:$0x6], $0xC38, $0x38;
	[tilespmem:$0x1F660] =	vst v63  }
0x2e: {  	_ =	swait.ge [sflag:s21], $0xC38  }
0x2f: {  	[sflag:s21] =	ssyncset.done $0x0  }
0x30: {  	s10 =	smov.u32 s16;
	s11 =	smov.u32 s17;
	[sflag:s21] =	ssyncadd.s32 $0xFFFFF3C8  }
0x31: {  	s12 =	smov.u32 s19;
	s8 =	simm.s32 $0x0;
	[bflag:$0x0] =	sbarrier.arrive $0xFFFF  }
.LBB2_4:
0x32: {  	s9 =	sshll.u32 s8, $0x5  }
0x33: {  	s9 =	sor.u32 s15, s9  }
0x34: {  	s9 =	smul.u32 $0xA00, s9;
	_ =	sdelay $0x1  }
0x35: {  	s9 =	sshrl.u32 s9, $0x3  }
0x36: {  	s13 =	sadd.s32 s6, s9  }
0x37: {  	[tilespmem:s4], [sflag:$0x1] =	stream.linear.gather [hbm4b:s13+s4], $0xA00, $0x38;
	[tilespmem:$0x1F660] =	vst v63  }
0x38: {  	s17 =	sadd.s32 s7, s9  }
0x39: {  	[tilespmem:s23], [sflag:$0x2] =	stream.linear.gather [hbm4b:s17+s4], $0xA00, $0x38;
	[tilespmem:$0x1F660] =	vst v63  }
0x3a: {  	s9 =	sadd.s32 s1, s9  }
0x3b: {  	[tilespmem:s24], [sflag:$0x3] =	stream.linear.gather [hbm4b:s9+s4], $0xA00, $0x38;
	[tilespmem:$0x1F660] =	vst v63  }
0x3c: {  	_ =	swait.ge [sflag:s25], $0xA00  }
0x3d: {  	[sflag:s25] =	ssyncset.done $0x0  }
0x3e: {  	[sflag:s25] =	ssyncadd.s32 $0xFFFFF600  }
0x3f: {  	_ =	swait.ge [sflag:s26], $0xA00  }
0x40: {  	[sflag:s26] =	ssyncset.done $0x0  }
0x41: {  	[sflag:s26] =	ssyncadd.s32 $0xFFFFF600  }
0x42: {  	_ =	swait.ge [sflag:s28], $0xA00  }
0x43: {  	[sflag:s28] =	ssyncset.done $0x0  }
0x44: {  	s19 =	simm.s32 $0x40;
	[sflag:s28] =	ssyncadd.s32 $0xFFFFF600  }
0x45: {  	s13 =	simm.s32 $0xA40;
	v1 =	vld [tilespmem:s19+$0x30]  }
0x46: {  	v2 =	vld [tilespmem:s13+$0x30]  }
0x47: {  	v3 =	vld [tilespmem:s13+$0xFFFFFFC0]  }
0x48: {  	v4 =	vld [tilespmem:s19+$0xFFFFFFD0]  }
0x49: {  	v5 =	vld [tilespmem:s13+$0xFFFFFFD0]  }
0x4a: {  	v6 =	vld [tilespmem:s19+$0xFFFFFFE0]  }
0x4b: {  	v7 =	vld [tilespmem:s13+$0xFFFFFFE0]  }
0x4c: {  	s14 =	simm.s32 $0x1440;
	v8 =	vld [tilespmem:s19+$0xFFFFFFF0]  }
0x4d: {  	v9 =	vld [tilespmem:s14+$0x30]  }
0x4e: {  	v10 =	vld [tilespmem:s13+$0xFFFFFFF0]  }
0x4f: {  	v11 =	vld [tilespmem:s19+$0x0]  }
0x50: {  	v12 =	vld [tilespmem:s13+$0x0]  }
0x51: {  	v13 =	vld [tilespmem:s19+$0x10]  }
0x52: {  	v14 =	vld [tilespmem:s13+$0x10]  }
0x53: {  	v15 =	vld [tilespmem:s19+$0x20]  }
0x54: {  	v16 =	vld [tilespmem:s13+$0x20]  }
0x55: {  	v17 =	vld [tilespmem:s19+$0xFFFFFFC0]  }
0x56: {  	v22 =	vld [tilespmem:s14+$0xFFFFFFC0]  }
0x57: {  	v26 =	vld [tilespmem:s14+$0xFFFFFFD0]  }
0x58: {  	v1 =	vld.idx.msk [tilespmem:v1+s20+$0x0], $0xffff  }
0x59: {  	v2 =	vld.idx.msk [tilespmem:v2+s20+$0x0], $0xffff  }
0x5a: {  	v3 =	vld.idx.msk [tilespmem:v3+s20+$0x0], $0xffff  }
0x5b: {  	v4 =	vld.idx.msk [tilespmem:v4+s20+$0x0], $0xffff  }
0x5c: {  	v5 =	vld.idx.msk [tilespmem:v5+s20+$0x0], $0xffff  }
0x5d: {  	v6 =	vld.idx.msk [tilespmem:v6+s20+$0x0], $0xffff  }
0x5e: {  	v7 =	vld.idx.msk [tilespmem:v7+s20+$0x0], $0xffff  }
0x5f: {  	v8 =	vld.idx.msk [tilespmem:v8+s20+$0x0], $0xffff  }
0x60: {  	v10 =	vld.idx.msk [tilespmem:v10+s20+$0x0], $0xffff  }
0x61: {  	v11 =	vld.idx.msk [tilespmem:v11+s20+$0x0], $0xffff  }
0x62: {  	v13 =	vld.idx.msk [tilespmem:v13+s20+$0x0], $0xffff  }
0x63: {  	v14 =	vld.idx.msk [tilespmem:v14+s20+$0x0], $0xffff  }
0x64: {  	v17 =	vld.idx.msk [tilespmem:v17+s20+$0x0], $0xffff  }
0x65: {  	v18 =	vld.idx.msk [tilespmem:v12+s20+$0x0], $0xffff;
	v1 =	vand.u32 $0xFFFF0000, v1  }
0x66: {  	v19 =	vld.idx.msk [tilespmem:v15+s20+$0x0], $0xffff;
	v2 =	vshll.u32 v2, $0x10;
	v23 =	vshll.u32 v3, $0x10;
	v24 =	vand.u32 $0xFFFF0000, v4  }
0x67: {  	v16 =	vld.idx.msk [tilespmem:v16+s20+$0x0], $0xffff;
	v25 =	vshll.u32 v5, $0x10;
	v3 =	vand.u32 $0xFFFF0000, v6;
	v4 =	vshll.u32 v7, $0x10  }
0x68: {  	v15 =	vld [tilespmem:s14+$0xFFFFFFE0];
	v5 =	vand.u32 $0xFFFF0000, v11;
	v6 =	vand.u32 $0xFFFF0000, v13;
	v7 =	vshll.u32 v14, $0x10  }
0x69: {  	v12 =	vld [tilespmem:s14+$0xFFFFFFF0];
	v20 =	vmul.f32 v1, v9;
	v21 =	vmul.f32 v2, v9;
	v1 =	vand.u32 $0xFFFF0000, v8  }
0x6a: {  	s16 =	simm.s32 $0x1E40;
	v11 =	vld [tilespmem:s14+$0x0];
	v2 =	vshll.u32 v10, $0x10;
	v10 =	vand.u32 $0xFFFF0000, v17;
	v8 =	vshll.u32 v18, $0x10  }
0x6b: {  	s17 =	simm.s32 $0x2840;
	v13 =	vld [tilespmem:s14+$0x10];
	v9 =	vand.u32 $0xFFFF0000, v19;
	v17 =	vmul.f32 v23, v22;
	v19 =	vmul.f32 v10, v22;
	[tilespmem:s16+$0x30] =	vst v20  }
0x6c: {  	s9 =	simm.s32 $0xC0;
	s19 =	simm.s32 $0x0;
	v14 =	vld [tilespmem:s14+$0x20];
	v18 =	vmul.f32 v24, v26;
	v10 =	vshll.u32 v16, $0x10;
	v16 =	vmul.f32 v25, v26;
	[tilespmem:s17+$0x30] =	vst v21  }
.LBB2_5:
0x6d: {  	v20 =	vld [tilespmem:s9+$0x30];
	[tilespmem:s16+$0xFFFFFFC0] =	vst v19;
	v3 =	vmul.f32 v3, v15;
	v4 =	vmul.f32 v4, v15;
	s13 =	sadd.s32 $0x80, s13  }
0x6e: {  	s19 =	sadd.s32 $0x8, s19;
	v15 =	vld [tilespmem:s13+$0x30];
	[tilespmem:s17+$0xFFFFFFC0] =	vst v17;
	v1 =	vmul.f32 v1, v12;
	v2 =	vmul.f32 v2, v12  }
0x6f: {  	p0 =	slt.u32 s19, $0x98;
	v12 =	vld [tilespmem:s13+$0xFFFFFFC0];
	[tilespmem:s16+$0xFFFFFFD0] =	vst v18;
	v5 =	vmul.f32 v5, v11;
	v8 =	vmul.f32 v8, v11  }
0x70: {  	v11 =	vld [tilespmem:s9+$0xFFFFFFD0];
	[tilespmem:s17+$0xFFFFFFD0] =	vst v16;
	v6 =	vmul.f32 v6, v13;
	v7 =	vmul.f32 v7, v13  }
0x71: {  	v13 =	vld [tilespmem:s13+$0xFFFFFFD0];
	[tilespmem:s16+$0xFFFFFFE0] =	vst v3;
	v3 =	vmul.f32 v9, v14;
	v9 =	vmul.f32 v10, v14  }
0x72: {  	v10 =	vld [tilespmem:s9+$0xFFFFFFE0];
	[tilespmem:s17+$0xFFFFFFE0] =	vst v4  }
0x73: {  	v4 =	vld [tilespmem:s13+$0xFFFFFFE0];
	[tilespmem:s16+$0xFFFFFFF0] =	vst v1  }
0x74: {  	v1 =	vld [tilespmem:s9+$0xFFFFFFF0];
	[tilespmem:s17+$0xFFFFFFF0] =	vst v2  }
0x75: {  	v2 =	vld.idx.msk [tilespmem:v20+s20+$0x0], $0xffff;
	[tilespmem:s16+$0x0] =	vst v5  }
0x76: {  	s14 =	sadd.s32 $0x80, s14;
	v5 =	vld.idx.msk [tilespmem:v15+s20+$0x0], $0xffff;
	[tilespmem:s17+$0x0] =	vst v8  }
0x77: {  	v8 =	vld [tilespmem:s14+$0x30];
	[tilespmem:s16+$0x10] =	vst v6  }
0x78: {  	v6 =	vld [tilespmem:s13+$0xFFFFFFF0];
	[tilespmem:s17+$0x10] =	vst v7  }
0x79: {  	v7 =	vld [tilespmem:s9+$0x0];
	[tilespmem:s16+$0x20] =	vst v3  }
0x7a: {  	v14 =	vld [tilespmem:s13+$0x0];
	[tilespmem:s17+$0x20] =	vst v9  }
0x7b: {  	v2 =	vand.u32 $0xFFFF0000, v2;
	v9 =	vld [tilespmem:s9+$0x10]  }
0x7c: {  	v3 =	vshll.u32 v5, $0x10;
	v15 =	vld [tilespmem:s13+$0x10];
	v2 =	vmul.f32 v2, v8  }
0x7d: {  	s16 =	sadd.s32 $0x80, s16;
	v3 =	vmul.f32 v3, v8;
	v5 =	vld [tilespmem:s9+$0x20]  }
0x7e: {  	s17 =	sadd.s32 $0x80, s17;
	v8 =	vld [tilespmem:s13+$0x20];
	[tilespmem:s16+$0x30] =	vst v2  }
0x7f: {  	v2 =	vld [tilespmem:s9+$0xFFFFFFC0];
	[tilespmem:s17+$0x30] =	vst v3  }
0x80: {  	v3 =	vld.idx.msk [tilespmem:v12+s20+$0x0], $0xffff  }
0x81: {  	v11 =	vld.idx.msk [tilespmem:v11+s20+$0x0], $0xffff  }
0x82: {  	v12 =	vld.idx.msk [tilespmem:v13+s20+$0x0], $0xffff  }
0x83: {  	v10 =	vld.idx.msk [tilespmem:v10+s20+$0x0], $0xffff  }
0x84: {  	v4 =	vld.idx.msk [tilespmem:v4+s20+$0x0], $0xffff  }
0x85: {  	v1 =	vld.idx.msk [tilespmem:v1+s20+$0x0], $0xffff  }
0x86: {  	v13 =	vshll.u32 v3, $0x10;
	v6 =	vld.idx.msk [tilespmem:v6+s20+$0x0], $0xffff  }
0x87: {  	v18 =	vand.u32 $0xFFFF0000, v11;
	v16 =	vld.idx.msk [tilespmem:v2+s20+$0x0], $0xffff  }
0x88: {  	v20 =	vshll.u32 v12, $0x10;
	v7 =	vld.idx.msk [tilespmem:v7+s20+$0x0], $0xffff  }
0x89: {  	v3 =	vand.u32 $0xFFFF0000, v10;
	v10 =	vld.idx.msk [tilespmem:v14+s20+$0x0], $0xffff  }
0x8a: {  	v4 =	vshll.u32 v4, $0x10;
	v9 =	vld.idx.msk [tilespmem:v9+s20+$0x0], $0xffff  }
0x8b: {  	v1 =	vand.u32 $0xFFFF0000, v1;
	v11 =	vld.idx.msk [tilespmem:v15+s20+$0x0], $0xffff  }
0x8c: {  	v2 =	vshll.u32 v6, $0x10;
	v14 =	vld.idx.msk [tilespmem:v5+s20+$0x0], $0xffff  }
0x8d: {  	v16 =	vand.u32 $0xFFFF0000, v16;
	v21 =	vld.idx.msk [tilespmem:v8+s20+$0x0], $0xffff  }
0x8e: {  	v5 =	vand.u32 $0xFFFF0000, v7;
	v17 =	vld [tilespmem:s14+$0xFFFFFFC0]  }
0x8f: {  	v8 =	vshll.u32 v10, $0x10;
	v22 =	vld [tilespmem:s14+$0xFFFFFFD0]  }
.Ltmp1:
0x90: {  	v6 =	vand.u32 $0xFFFF0000, v9;
	v15 =	vld [tilespmem:s14+$0xFFFFFFE0];
	(pc) =	sbr.rel @p0 .LBB2_5-.Ltmp1, $4  }
0x91: {  	v7 =	vshll.u32 v11, $0x10;
	v12 =	vld [tilespmem:s14+$0xFFFFFFF0]  }
0x92: {  	v9 =	vand.u32 $0xFFFF0000, v14;
	v11 =	vld [tilespmem:s14+$0x0]  }
0x93: {  	v10 =	vshll.u32 v21, $0x10;
	v19 =	vmul.f32 v16, v17;
	v17 =	vmul.f32 v13, v17;
	v13 =	vld [tilespmem:s14+$0x10]  }
0x94: {  	s9 =	sadd.s32 $0x80, s9;
	v18 =	vmul.f32 v18, v22;
	v16 =	vmul.f32 v20, v22;
	v14 =	vld [tilespmem:s14+$0x20]  }
0x95: {  	[tilespmem:s16+$0xFFFFFFC0] =	vst v19  }
0x96: {  	[tilespmem:s17+$0xFFFFFFC0] =	vst v17  }
0x97: {  	v3 =	vmul.f32 v3, v15;
	[tilespmem:s16+$0xFFFFFFD0] =	vst v18  }
0x98: {  	v4 =	vmul.f32 v4, v15;
	[tilespmem:s17+$0xFFFFFFD0] =	vst v16  }
0x99: {  	v1 =	vmul.f32 v1, v12;
	[tilespmem:s16+$0xFFFFFFE0] =	vst v3  }
0x9a: {  	v2 =	vmul.f32 v2, v12;
	[tilespmem:s17+$0xFFFFFFE0] =	vst v4  }
0x9b: {  	v3 =	vmul.f32 v5, v11;
	[tilespmem:s16+$0xFFFFFFF0] =	vst v1  }
0x9c: {  	v1 =	vmul.f32 v8, v11;
	[tilespmem:s17+$0xFFFFFFF0] =	vst v2  }
0x9d: {  	v2 =	vmul.f32 v6, v13;
	[tilespmem:s16+$0x0] =	vst v3  }
0x9e: {  	v3 =	vmul.f32 v7, v13;
	[tilespmem:s17+$0x0] =	vst v1  }
0x9f: {  	v1 =	vmul.f32 v9, v14;
	[tilespmem:s16+$0x10] =	vst v2  }
0xa0: {  	v2 =	vmul.f32 v10, v14;
	[tilespmem:s17+$0x10] =	vst v3  }
0xa1: {  	[tilespmem:s16+$0x20] =	vst v1  }
0xa2: {  	[tilespmem:s17+$0x20] =	vst v2  }
0xa3: {  	[spmem:s2] =	stream.indirect.scatter.add.f32 [tilespmem:s29], [sflag:$0x4], $0x1, s23, s23, $0xb8;
	[tilespmem:$0x1F660] =	vst v63  }
0xa4: {  	s8 =	sadd.s32 $0x1, s8  }
0xa5: {  	[spmem:s3] =	stream.indirect.scatter.add.f32 [tilespmem:s30], [sflag:$0x5], $0x1, s4, s23, $0xb8;
	[tilespmem:$0x1F660] =	vst v63  }
0xa6: {  	p0 =	sne.s32 s8, s18;
	_ =	swait.ge [sflag:s31], $0xA00  }
.Ltmp2:
0xa7: {  	[sflag:s31] =	ssyncset.done $0x0;
	(pc) =	sbr.rel @p0 .LBB2_4-.Ltmp2, $4  }
0xa8: {  	[sflag:s31] =	ssyncadd.s32 $0xFFFFF600  }
0xa9: {  	_ =	swait.ge [sflag:s0], $0xA00  }
0xaa: {  	[sflag:s0] =	ssyncset.done $0x0  }
0xab: {  	[sflag:s0] =	ssyncadd.s32 $0xFFFFF600  }
0xac: {  	[bflag:$0x0] =	sbarrier.arrive $0xFFFF  }
0xad: {  	[tilespmem:s22], [sflag:$0x6] =	stream.linear.gather [spmem:s10], $0xC38, $0x38;
	[tilespmem:$0x1F660] =	vst v63  }
0xae: {  	_ =	swait.ge [sflag:s21], $0xC38  }
0xaf: {  	[sflag:s21] =	ssyncset.done $0x0  }
0xb0: {  	s8 =	rddreg [dreg:$0x7];
	[sflag:s21] =	ssyncadd.s32 $0xFFFFF3C8  }
0xb1: {  	[hbm4b:s8+s4] =	stream.linear.scatter [tilespmem:s22], [sflag:$0x6], $0xC38, $0x38;
	[tilespmem:$0x1F660] =	vst v63  }
0xb2: {  	_ =	swait.ge [sflag:s21], $0xC38  }
0xb3: {  	[sflag:s21] =	ssyncset.done $0x0  }
0xb4: {  	[sflag:s21] =	ssyncadd.s32 $0xFFFFF3C8  }
0xb5: {  	[tilespmem:s22], [sflag:$0x6] =	stream.linear.gather [spmem:s11], $0xC38, $0x38;
	[tilespmem:$0x1F660] =	vst v63  }
0xb6: {  	_ =	swait.ge [sflag:s21], $0xC38  }
0xb7: {  	[sflag:s21] =	ssyncset.done $0x0  }
0xb8: {  	s16 =	smov.u32 s10;
	s10 =	rddreg [dreg:$0x8];
	[sflag:s21] =	ssyncadd.s32 $0xFFFFF3C8  }
0xb9: {  	[hbm4b:s10+s4] =	stream.linear.scatter [tilespmem:s22], [sflag:$0x6], $0xC38, $0x38;
	[tilespmem:$0x1F660] =	vst v63  }
0xba: {  	_ =	swait.ge [sflag:s21], $0xC38  }
0xbb: {  	[sflag:s21] =	ssyncset.done $0x0  }
0xbc: {  	[sflag:s21] =	ssyncadd.s32 $0xFFFFF3C8  }
0xbd: {  	[tilespmem:s22], [sflag:$0x6] =	stream.linear.gather [spmem:s12], $0xC38, $0x38;
	[tilespmem:$0x1F660] =	vst v63  }
0xbe: {  	_ =	swait.ge [sflag:s21], $0xC38  }
0xbf: {  	[sflag:s21] =	ssyncset.done $0x0  }
0xc0: {  	s17 =	smov.u32 s11;
	s11 =	rddreg [dreg:$0x9];
	[sflag:s21] =	ssyncadd.s32 $0xFFFFF3C8  }
0xc1: {  	[hbm4b:s11+s4] =	stream.linear.scatter [tilespmem:s22], [sflag:$0x6], $0xC38, $0x38;
	[tilespmem:$0x1F660] =	vst v63  }
0xc2: {  	_ =	swait.ge [sflag:s21], $0xC38  }
0xc3: {  	[sflag:s21] =	ssyncset.done $0x0  }
0xc4: {  	s19 =	smov.u32 s12;
	s12 =	rddreg [dreg:$0x6];
	[sflag:s21] =	ssyncadd.s32 $0xFFFFF3C8  }
0xc5: {  	[tilespmem:s22], [sflag:$0x6] =	stream.linear.gather [spmem:s12], $0xC38, $0x38;
	[tilespmem:$0x1F660] =	vst v63  }
0xc6: {  	_ =	swait.ge [sflag:s21], $0xC38  }
0xc7: {  	[sflag:s21] =	ssyncset.done $0x0  }
0xc8: {  	s13 =	rddreg [dreg:$0xa];
	[sflag:s21] =	ssyncadd.s32 $0xFFFFF3C8  }
0xc9: {  	[hbm4b:s13+s4] =	stream.linear.scatter [tilespmem:s22], [sflag:$0x6], $0xC38, $0x38;
	[tilespmem:$0x1F660] =	vst v63  }
0xca: {  	_ =	swait.ge [sflag:s21], $0xC38  }
0xcb: {  	s5 =	sadd.s32 $0x1, s5;
	s14 =	rddreg [dreg:$0xb]  }
0xcc: {  	p0 =	sne.s32 s5, s14  }
.Ltmp3:
0xcd: {  	_ = 	snop;
	(pc) =	sbr.rel @p0 .LBB2_1-.Ltmp3, $3  }
0xce: {  	_ =	sdelay $0x1  }
0xcf: {  	[sflag:s21] =	ssyncset.done $0x0  }
0xd0: {  	[sflag:s21] =	ssyncadd.s32 $0xFFFFF3C8  }
0xd1: {  	_ =	sfence.sel $0x180000  }
0xd2: {  	[bflag:$0x0] =	sbarrier.arrive $0xFFFF  }
0xd3: {  	_ =	strace $0x9000004A  }
0xd4: {  	s0 =	stileid.u32;
	[bflag:$0x2] =	sbarrier.arrive $0xFFFF  }
0xd5: {  	p0 =	sne.s32 s0, $0x0;
	s0 =	rddreg [dreg:$0x4]  }
0xd6: {  	s0 =	sadd.s32 @!p0 $0x100000, s0  }
0xd7: {  	[sflag:s0] =	ssyncadd.tile.s32 @!p0 $0x1;
	_ =	shalt  }
.Lfunc_end2:
_tile_overlayer_lowered:
.L_overlay_start_2:
0xd8: {  	(tag) =	ssettag $0x2  }
0xd9: {  	s0 =	rddreg [dreg:$0x0];
	s2 =	stileid.u32  }
0xda: {  	s1 =	rddreg [dreg:$0x1];
	p0 =	sne.s32 s2, $0x0  }
0xdb: {  	s3 =	rddreg [dreg:$0x2];
	[bflag:$0x3] =	sbarrier.arrive $0xFFFF;
	s2 =	simm.s32 @!p0 $0x1C06  }
0xdc: {  	[timem:s3], [sflag:s2] =	dma.local @!p0 [hbm:s0], s1  }
0xdd: {  	s0 =	simm.s32 @!p0 $0x6  }
0xde: {  	_ =	swait.ge @!p0 [sflag:s0], s1  }
0xdf: {  	s1 =	ssub.s32 @!p0 $0x0, s1;
	[sflag:s0] =	ssyncset.done @!p0 $0x0  }
0xe0: {  	[sflag:s0] =	ssyncadd.s32 @!p0 s1  }
0xe1: {  	[bflag:$0x3] =	sbarrier.arrive $0xFFFF  }
0xe2: {  	_ =	shalt  }

</sc_bundles>
